<compile_context>
chip_gen: v7x
topology: tpu7x:2x2x1
jax: 0.10.2.dev20260603
libtpu: 0.0.44.dev20260713+nightly
codegen_flags: <defaults>
</compile_context>

<pallas_src>
import functools

import jax
import jax.numpy as jnp
from jax import lax
from jax.experimental import pallas as pl
from jax.experimental.pallas import tpu as pltpu
from jax.experimental.pallas import tpu_sc as plsc

_N = 18432
_K = 1024
_D = 64
_BLOCK = 3072
_COMMIT = 0.25

_NSEG = 2
_SEG = _N // _NSEG

_NC = 2
_NS = 16
_NW = _NC * _NS
_BPW = _SEG // _NW
_CHUNK = 96
_NCHUNK = _BPW // _CHUNK


def _vq_block(z_ref, embm2_ref, z2_ref, e2_ref, iotaf_ref,
              idx_ref, part_ref):
    z = z_ref[...]
    mm2 = jax.lax.dot_general(z, embm2_ref[...], (((1,), (1,)), ((), ())),
                              preferred_element_type=jnp.float32)
    d = (z2_ref[...] + e2_ref[...]) + mm2
    m = jnp.min(d, axis=1, keepdims=True)
    iotaf = iotaf_ref[...]
    cand = jnp.where(d == m, iotaf, jnp.float32(_K))
    idxf = jnp.min(cand, axis=1, keepdims=True)
    idx_ref[...] = idxf[:, 0].astype(jnp.int32)
    part_ref[...] = jnp.sum(m)[None, None, None]


def _tc_segment(z_seg, embm2, z2_seg, e2, iotaf):
    nblocks = _SEG // _BLOCK
    return pl.pallas_call(
        _vq_block,
        grid=(nblocks,),
        in_specs=[
            pl.BlockSpec((_BLOCK, _D), lambda i: (i, 0)),
            pl.BlockSpec((_K, _D), lambda i: (0, 0)),
            pl.BlockSpec((_BLOCK, 1), lambda i: (i, 0)),
            pl.BlockSpec((1, _K), lambda i: (0, 0)),
            pl.BlockSpec((1, _K), lambda i: (0, 0)),
        ],
        out_specs=[
            pl.BlockSpec((_BLOCK,), lambda i: (i,)),
            pl.BlockSpec((1, 1, 1), lambda i: (i, 0, 0)),
        ],
        out_shape=[
            jax.ShapeDtypeStruct((_SEG,), jnp.int32),
            jax.ShapeDtypeStruct((nblocks, 1, 1), jnp.float32),
        ],
        compiler_params=pltpu.CompilerParams(
            dimension_semantics=("parallel",)),
    )(z_seg, embm2, z2_seg, e2, iotaf)


@functools.partial(
    pl.kernel,
    mesh=plsc.VectorSubcoreMesh(core_axis_name="c", subcore_axis_name="s"),
    compiler_params=pltpu.CompilerParams(use_tc_tiling_on_sc=False),
    out_type=jax.ShapeDtypeStruct((_SEG, _D), jnp.float32),
    scratch_types=[
        pltpu.VMEM((_NCHUNK, _CHUNK), jnp.int32),
        pltpu.VMEM((_BPW, _D), jnp.float32),
        pltpu.SemaphoreType.DMA,
    ],
)
def _sc_gather(emb_hbm, idx_hbm, out_hbm, idx_v, rows_v, sem):
    wid = lax.axis_index("s") * _NC + lax.axis_index("c")
    base = wid * _BPW
    for j in range(_NCHUNK):
        pltpu.sync_copy(idx_hbm.at[pl.ds(base + j * _CHUNK, _CHUNK)],
                        idx_v.at[j])
    copies = [
        pltpu.async_copy(emb_hbm.at[idx_v.at[j]],
                         rows_v.at[pl.ds(j * _CHUNK, _CHUNK)], sem)
        for j in range(_NCHUNK)
    ]
    for c in copies:
        c.wait()
    pltpu.sync_copy(rows_v, out_hbm.at[pl.ds(base, _BPW)])


def kernel(z_flat, emb):
    z2 = jnp.sum(z_flat ** 2, axis=1, keepdims=True)
    e2 = jnp.sum(emb ** 2, axis=1)[None, :]
    embm2 = -2.0 * emb
    iotaf = jnp.arange(_K, dtype=jnp.float32)[None, :]
    idxs, qs, parts = [], [], []
    for s in range(_NSEG):
        sl = slice(s * _SEG, (s + 1) * _SEG)
        idx_s, part_s = _tc_segment(z_flat[sl], embm2, z2[sl], e2, iotaf)
        qs.append(_sc_gather(emb, idx_s))
        idxs.append(idx_s)
        parts.append(part_s)
    idx = jnp.concatenate(idxs)
    q = jnp.concatenate(qs, axis=0)
    loss = (jnp.sum(jnp.stack([jnp.sum(p) for p in parts]))
            * ((1.0 + _COMMIT) / (_N * _D)))
    return (loss, q, idx)

# --- scband reference (transcript-rebuilt; emitter-appended) ---
"""Pipeline reference for scband-flattened-vector-quantizer-76897094468432 (READ-ONLY COPY).

The authoritative reference and input builder live on the scoring server;
editing this copy changes nothing except your own understanding.
"""

import jax, jax.numpy as jnp
import numpy as np

CODEBOOK_SIZE = 1024
CODE_DIM = 64
COMMITMENT_COST = 0.25
N = 18432

def setup_inputs(seed: int = 0) -> dict:
    key = jax.random.key(seed)
    k1, k2 = jax.random.split(key)
    z_flat = jax.random.normal(k1, (N, CODE_DIM), dtype=jnp.float32)
    # uniform init in [-1/K, 1/K], matching torch init_method='uniform'
    emb = jax.random.uniform(k2, (CODEBOOK_SIZE, CODE_DIM), dtype=jnp.float32,
                             minval=-1.0 / CODEBOOK_SIZE, maxval=1.0 / CODEBOOK_SIZE)
    return {"z_flat": z_flat, "emb": emb}

def reference(z_flat, emb):
    # distances[n,k] = ||z_n||^2 + ||e_k||^2 - 2 z_n . e_k
    distances = (jnp.sum(z_flat ** 2, axis=1, keepdims=True)
                 + jnp.sum(emb ** 2, axis=1)
                 - 2.0 * jnp.matmul(z_flat, emb.T))
    indices = jnp.argmin(distances, axis=1)
    quantized = jnp.take(emb, indices, axis=0)
    e_latent_loss = jnp.mean((jax.lax.stop_gradient(quantized) - z_flat) ** 2)
    q_latent_loss = jnp.mean((quantized - jax.lax.stop_gradient(z_flat)) ** 2)
    loss = q_latent_loss + COMMITMENT_COST * e_latent_loss
    # straight-through estimator
    quantized_st = z_flat + jax.lax.stop_gradient(quantized - z_flat)
    return (loss, quantized_st, indices)

if __name__ == "__main__":
    import jax
    _d = setup_inputs()
    print(jax.jit(kernel)(*tuple(_d.values())))

</pallas_src>

<mosaic_0001>
#map = affine_map<(d0, d1) -> (0, 0)>
#map1 = affine_map<(d0, d1) -> (0)>
module attributes {stable_mosaic.version = 14 : i64} {
  func.func @_sc_gather(%arg0: i32, %arg1: i32, %arg2: memref<1024x64xf32, #tpu.memory_space<hbm>>, %arg3: memref<9216xi32, #tpu.memory_space<hbm>>, %arg4: memref<9216x64xf32, #tpu.memory_space<hbm>>, %arg5: memref<3x96xi32, #tpu.memory_space<vmem>>, %arg6: memref<288x64xf32, #tpu.memory_space<vmem>>, %arg7: memref<!tpu.dma_semaphore, #tpu.memory_space<semaphore_mem>>) attributes {dimension_semantics = [#tpu.dimension_semantics<core_parallel>, #tpu.dimension_semantics<subcore_parallel>], iteration_bounds = array<i64: 2, 16>, scalar_prefetch = 0 : i64, scratch_operands = 3 : i64, tpu.core_type = #tpu.core_type<sc_vector_subcore>, window_params = [{transform_indices = #map}, {transform_indices = #map1}, {transform_indices = #map}]} {
    %mul3A = arith.constant 2 : i32
    %mul3A_0 = arith.muli %arg1, %mul3A : i32
    %add3A = arith.addi %mul3A_0, %arg0 : i32
    %mul3A_1 = arith.constant 288 : i32
    %mul3A_2 = arith.muli %add3A, %mul3A_1 : i32
    %add3A_3 = arith.constant 0 : i32
    %add3A_4 = arith.addi %mul3A_2, %add3A_3 : i32
    %run_scoped3A = arith.constant 0 : i32
    "tpu.region"() ({
      %run_scoped3A_69 = tpu.sem_alloc : memref<!tpu.dma_semaphore, #tpu.memory_space<semaphore_mem>>
      %dma_start3A_70 = arith.constant 0 : i32
      %dma_start3A_71 = tpu.memref_slice %arg5[%run_scoped3A, %dma_start3A_70] : memref<3x96xi32, #tpu.memory_space<vmem>> -> memref<1x96xi32, #tpu.memory_space<vmem>>
      %dma_start3A_72 = tpu.memref_squeeze %dma_start3A_71 : memref<1x96xi32, #tpu.memory_space<vmem>> -> memref<96xi32, #tpu.memory_space<vmem>>
      %dma_start3A_73 = tpu.memref_slice %arg3[%add3A_4] : memref<9216xi32, #tpu.memory_space<hbm>> -> memref<96xi32, #tpu.memory_space<hbm>>
      %dma_start3A_74 = arith.constant 0 : i32
      %dma_start3A_75 = tpu.memref_slice %arg5[%run_scoped3A, %dma_start3A_74] : memref<3x96xi32, #tpu.memory_space<vmem>> -> memref<1x96xi32, #tpu.memory_space<vmem>>
      %dma_start3A_76 = tpu.memref_squeeze %dma_start3A_75 : memref<1x96xi32, #tpu.memory_space<vmem>> -> memref<96xi32, #tpu.memory_space<vmem>>
      %dma_start3A_77 = tpu.memref_slice %arg3[%add3A_4] : memref<9216xi32, #tpu.memory_space<hbm>> -> memref<96xi32, #tpu.memory_space<hbm>>
      tpu.enqueue_dma source(%dma_start3A_77 : memref<96xi32, #tpu.memory_space<hbm>>) target(%dma_start3A_76 : memref<96xi32, #tpu.memory_space<vmem>>) target_semaphore(%run_scoped3A_69 : memref<!tpu.dma_semaphore, #tpu.memory_space<semaphore_mem>>)
      %dma_wait3A_78 = arith.constant 0 : i32
      %dma_wait3A_79 = tpu.memref_slice %arg5[%run_scoped3A, %dma_wait3A_78] : memref<3x96xi32, #tpu.memory_space<vmem>> -> memref<1x96xi32, #tpu.memory_space<vmem>>
      %dma_wait3A_80 = tpu.memref_squeeze %dma_wait3A_79 : memref<1x96xi32, #tpu.memory_space<vmem>> -> memref<96xi32, #tpu.memory_space<vmem>>
      %dma_wait3A_81 = tpu.memref_slice %arg3[%add3A_4] : memref<9216xi32, #tpu.memory_space<hbm>> -> memref<96xi32, #tpu.memory_space<hbm>>
      %dma_wait3A_82 = arith.constant 0 : i32
      %dma_wait3A_83 = tpu.memref_slice %arg5[%run_scoped3A, %dma_wait3A_82] : memref<3x96xi32, #tpu.memory_space<vmem>> -> memref<1x96xi32, #tpu.memory_space<vmem>>
      %dma_wait3A_84 = tpu.memref_squeeze %dma_wait3A_83 : memref<1x96xi32, #tpu.memory_space<vmem>> -> memref<96xi32, #tpu.memory_space<vmem>>
      %dma_wait3A_85 = tpu.memref_slice %arg3[%add3A_4] : memref<9216xi32, #tpu.memory_space<hbm>> -> memref<96xi32, #tpu.memory_space<hbm>>
      tpu.wait_dma2 semaphore(%run_scoped3A_69 : memref<!tpu.dma_semaphore, #tpu.memory_space<semaphore_mem>>) src(%dma_wait3A_85 : memref<96xi32, #tpu.memory_space<hbm>>) dst(%dma_wait3A_84 : memref<96xi32, #tpu.memory_space<vmem>>)
      tpu.yield
    }) : () -> ()
    %add3A_5 = arith.constant 96 : i32
    %add3A_6 = arith.addi %mul3A_2, %add3A_5 : i32
    %run_scoped3A_7 = arith.constant 1 : i32
    "tpu.region"() ({
      %run_scoped3A_69 = tpu.sem_alloc : memref<!tpu.dma_semaphore, #tpu.memory_space<semaphore_mem>>
      %dma_start3A_70 = arith.constant 0 : i32
      %dma_start3A_71 = tpu.memref_slice %arg5[%run_scoped3A_7, %dma_start3A_70] : memref<3x96xi32, #tpu.memory_space<vmem>> -> memref<1x96xi32, #tpu.memory_space<vmem>>
      %dma_start3A_72 = tpu.memref_squeeze %dma_start3A_71 : memref<1x96xi32, #tpu.memory_space<vmem>> -> memref<96xi32, #tpu.memory_space<vmem>>
      %dma_start3A_73 = tpu.memref_slice %arg3[%add3A_6] : memref<9216xi32, #tpu.memory_space<hbm>> -> memref<96xi32, #tpu.memory_space<hbm>>
      %dma_start3A_74 = arith.constant 0 : i32
      %dma_start3A_75 = tpu.memref_slice %arg5[%run_scoped3A_7, %dma_start3A_74] : memref<3x96xi32, #tpu.memory_space<vmem>> -> memref<1x96xi32, #tpu.memory_space<vmem>>
      %dma_start3A_76 = tpu.memref_squeeze %dma_start3A_75 : memref<1x96xi32, #tpu.memory_space<vmem>> -> memref<96xi32, #tpu.memory_space<vmem>>
      %dma_start3A_77 = tpu.memref_slice %arg3[%add3A_6] : memref<9216xi32, #tpu.memory_space<hbm>> -> memref<96xi32, #tpu.memory_space<hbm>>
      tpu.enqueue_dma source(%dma_start3A_77 : memref<96xi32, #tpu.memory_space<hbm>>) target(%dma_start3A_76 : memref<96xi32, #tpu.memory_space<vmem>>) target_semaphore(%run_scoped3A_69 : memref<!tpu.dma_semaphore, #tpu.memory_space<semaphore_mem>>)
      %dma_wait3A_78 = arith.constant 0 : i32
      %dma_wait3A_79 = tpu.memref_slice %arg5[%run_scoped3A_7, %dma_wait3A_78] : memref<3x96xi32, #tpu.memory_space<vmem>> -> memref<1x96xi32, #tpu.memory_space<vmem>>
      %dma_wait3A_80 = tpu.memref_squeeze %dma_wait3A_79 : memref<1x96xi32, #tpu.memory_space<vmem>> -> memref<96xi32, #tpu.memory_space<vmem>>
      %dma_wait3A_81 = tpu.memref_slice %arg3[%add3A_6] : memref<9216xi32, #tpu.memory_space<hbm>> -> memref<96xi32, #tpu.memory_space<hbm>>
      %dma_wait3A_82 = arith.constant 0 : i32
      %dma_wait3A_83 = tpu.memref_slice %arg5[%run_scoped3A_7, %dma_wait3A_82] : memref<3x96xi32, #tpu.memory_space<vmem>> -> memref<1x96xi32, #tpu.memory_space<vmem>>
      %dma_wait3A_84 = tpu.memref_squeeze %dma_wait3A_83 : memref<1x96xi32, #tpu.memory_space<vmem>> -> memref<96xi32, #tpu.memory_space<vmem>>
      %dma_wait3A_85 = tpu.memref_slice %arg3[%add3A_6] : memref<9216xi32, #tpu.memory_space<hbm>> -> memref<96xi32, #tpu.memory_space<hbm>>
      tpu.wait_dma2 semaphore(%run_scoped3A_69 : memref<!tpu.dma_semaphore, #tpu.memory_space<semaphore_mem>>) src(%dma_wait3A_85 : memref<96xi32, #tpu.memory_space<hbm>>) dst(%dma_wait3A_84 : memref<96xi32, #tpu.memory_space<vmem>>)
      tpu.yield
    }) : () -> ()
    %add3A_8 = arith.constant 192 : i32
    %add3A_9 = arith.addi %mul3A_2, %add3A_8 : i32
    %run_scoped3A_10 = arith.constant 2 : i32
    "tpu.region"() ({
      %run_scoped3A_69 = tpu.sem_alloc : memref<!tpu.dma_semaphore, #tpu.memory_space<semaphore_mem>>
      %dma_start3A_70 = arith.constant 0 : i32
      %dma_start3A_71 = tpu.memref_slice %arg5[%run_scoped3A_10, %dma_start3A_70] : memref<3x96xi32, #tpu.memory_space<vmem>> -> memref<1x96xi32, #tpu.memory_space<vmem>>
      %dma_start3A_72 = tpu.memref_squeeze %dma_start3A_71 : memref<1x96xi32, #tpu.memory_space<vmem>> -> memref<96xi32, #tpu.memory_space<vmem>>
      %dma_start3A_73 = tpu.memref_slice %arg3[%add3A_9] : memref<9216xi32, #tpu.memory_space<hbm>> -> memref<96xi32, #tpu.memory_space<hbm>>
      %dma_start3A_74 = arith.constant 0 : i32
      %dma_start3A_75 = tpu.memref_slice %arg5[%run_scoped3A_10, %dma_start3A_74] : memref<3x96xi32, #tpu.memory_space<vmem>> -> memref<1x96xi32, #tpu.memory_space<vmem>>
      %dma_start3A_76 = tpu.memref_squeeze %dma_start3A_75 : memref<1x96xi32, #tpu.memory_space<vmem>> -> memref<96xi32, #tpu.memory_space<vmem>>
      %dma_start3A_77 = tpu.memref_slice %arg3[%add3A_9] : memref<9216xi32, #tpu.memory_space<hbm>> -> memref<96xi32, #tpu.memory_space<hbm>>
      tpu.enqueue_dma source(%dma_start3A_77 : memref<96xi32, #tpu.memory_space<hbm>>) target(%dma_start3A_76 : memref<96xi32, #tpu.memory_space<vmem>>) target_semaphore(%run_scoped3A_69 : memref<!tpu.dma_semaphore, #tpu.memory_space<semaphore_mem>>)
      %dma_wait3A_78 = arith.constant 0 : i32
      %dma_wait3A_79 = tpu.memref_slice %arg5[%run_scoped3A_10, %dma_wait3A_78] : memref<3x96xi32, #tpu.memory_space<vmem>> -> memref<1x96xi32, #tpu.memory_space<vmem>>
      %dma_wait3A_80 = tpu.memref_squeeze %dma_wait3A_79 : memref<1x96xi32, #tpu.memory_space<vmem>> -> memref<96xi32, #tpu.memory_space<vmem>>
      %dma_wait3A_81 = tpu.memref_slice %arg3[%add3A_9] : memref<9216xi32, #tpu.memory_space<hbm>> -> memref<96xi32, #tpu.memory_space<hbm>>
      %dma_wait3A_82 = arith.constant 0 : i32
      %dma_wait3A_83 = tpu.memref_slice %arg5[%run_scoped3A_10, %dma_wait3A_82] : memref<3x96xi32, #tpu.memory_space<vmem>> -> memref<1x96xi32, #tpu.memory_space<vmem>>
      %dma_wait3A_84 = tpu.memref_squeeze %dma_wait3A_83 : memref<1x96xi32, #tpu.memory_space<vmem>> -> memref<96xi32, #tpu.memory_space<vmem>>
      %dma_wait3A_85 = tpu.memref_slice %arg3[%add3A_9] : memref<9216xi32, #tpu.memory_space<hbm>> -> memref<96xi32, #tpu.memory_space<hbm>>
      tpu.wait_dma2 semaphore(%run_scoped3A_69 : memref<!tpu.dma_semaphore, #tpu.memory_space<semaphore_mem>>) src(%dma_wait3A_85 : memref<96xi32, #tpu.memory_space<hbm>>) dst(%dma_wait3A_84 : memref<96xi32, #tpu.memory_space<vmem>>)
      tpu.yield
    }) : () -> ()
    %dma_start3A = arith.constant 0 : i32
    %dma_start3A_11 = arith.constant 0 : i32
    %dma_start3A_12 = arith.constant 0 : i32
    %dma_start3A_13 = tpu.memref_slice %arg6[%dma_start3A_11, %dma_start3A_12] : memref<288x64xf32, #tpu.memory_space<vmem>> -> memref<96x64xf32, #tpu.memory_space<vmem>>
    %dma_start3A_14 = arith.constant 0 : i32
    %dma_start3A_15 = tpu.memref_slice %arg5[%dma_start3A, %dma_start3A_14] : memref<3x96xi32, #tpu.memory_space<vmem>> -> memref<1x96xi32, #tpu.memory_space<vmem>>
    %dma_start3A_16 = tpu.memref_squeeze %dma_start3A_15 : memref<1x96xi32, #tpu.memory_space<vmem>> -> memref<96xi32, #tpu.memory_space<vmem>>
    %dma_start3A_17 = arith.constant 0 : i32
    %dma_start3A_18 = arith.constant 0 : i32
    %dma_start3A_19 = tpu.memref_slice %arg2[%dma_start3A_17, %dma_start3A_18] : memref<1024x64xf32, #tpu.memory_space<hbm>> -> memref<1024x64xf32, #tpu.memory_space<hbm>>
    tpu.enqueue_indirect_dma source(%dma_start3A_19 : memref<1024x64xf32, #tpu.memory_space<hbm>>) target(%dma_start3A_13 : memref<96x64xf32, #tpu.memory_space<vmem>>) offsets(%dma_start3A_16 : memref<96xi32, #tpu.memory_space<vmem>>) semaphore(%arg7 : memref<!tpu.dma_semaphore, #tpu.memory_space<semaphore_mem>>)
    %dma_start3A_20 = arith.constant 1 : i32
    %dma_start3A_21 = arith.constant 96 : i32
    %dma_start3A_22 = arith.constant 0 : i32
    %dma_start3A_23 = tpu.memref_slice %arg6[%dma_start3A_21, %dma_start3A_22] : memref<288x64xf32, #tpu.memory_space<vmem>> -> memref<96x64xf32, #tpu.memory_space<vmem>>
    %dma_start3A_24 = arith.constant 0 : i32
    %dma_start3A_25 = tpu.memref_slice %arg5[%dma_start3A_20, %dma_start3A_24] : memref<3x96xi32, #tpu.memory_space<vmem>> -> memref<1x96xi32, #tpu.memory_space<vmem>>
    %dma_start3A_26 = tpu.memref_squeeze %dma_start3A_25 : memref<1x96xi32, #tpu.memory_space<vmem>> -> memref<96xi32, #tpu.memory_space<vmem>>
    %dma_start3A_27 = arith.constant 0 : i32
    %dma_start3A_28 = arith.constant 0 : i32
    %dma_start3A_29 = tpu.memref_slice %arg2[%dma_start3A_27, %dma_start3A_28] : memref<1024x64xf32, #tpu.memory_space<hbm>> -> memref<1024x64xf32, #tpu.memory_space<hbm>>
    tpu.enqueue_indirect_dma source(%dma_start3A_29 : memref<1024x64xf32, #tpu.memory_space<hbm>>) target(%dma_start3A_23 : memref<96x64xf32, #tpu.memory_space<vmem>>) offsets(%dma_start3A_26 : memref<96xi32, #tpu.memory_space<vmem>>) semaphore(%arg7 : memref<!tpu.dma_semaphore, #tpu.memory_space<semaphore_mem>>)
    %dma_start3A_30 = arith.constant 2 : i32
    %dma_start3A_31 = arith.constant 192 : i32
    %dma_start3A_32 = arith.constant 0 : i32
    %dma_start3A_33 = tpu.memref_slice %arg6[%dma_start3A_31, %dma_start3A_32] : memref<288x64xf32, #tpu.memory_space<vmem>> -> memref<96x64xf32, #tpu.memory_space<vmem>>
    %dma_start3A_34 = arith.constant 0 : i32
    %dma_start3A_35 = tpu.memref_slice %arg5[%dma_start3A_30, %dma_start3A_34] : memref<3x96xi32, #tpu.memory_space<vmem>> -> memref<1x96xi32, #tpu.memory_space<vmem>>
    %dma_start3A_36 = tpu.memref_squeeze %dma_start3A_35 : memref<1x96xi32, #tpu.memory_space<vmem>> -> memref<96xi32, #tpu.memory_space<vmem>>
    %dma_start3A_37 = arith.constant 0 : i32
    %dma_start3A_38 = arith.constant 0 : i32
    %dma_start3A_39 = tpu.memref_slice %arg2[%dma_start3A_37, %dma_start3A_38] : memref<1024x64xf32, #tpu.memory_space<hbm>> -> memref<1024x64xf32, #tpu.memory_space<hbm>>
    tpu.enqueue_indirect_dma source(%dma_start3A_39 : memref<1024x64xf32, #tpu.memory_space<hbm>>) target(%dma_start3A_33 : memref<96x64xf32, #tpu.memory_space<vmem>>) offsets(%dma_start3A_36 : memref<96xi32, #tpu.memory_space<vmem>>) semaphore(%arg7 : memref<!tpu.dma_semaphore, #tpu.memory_space<semaphore_mem>>)
    %dma_wait3A = arith.constant 0 : i32
    %dma_wait3A_40 = arith.constant 0 : i32
    %dma_wait3A_41 = arith.constant 0 : i32
    %dma_wait3A_42 = tpu.memref_slice %arg6[%dma_wait3A_40, %dma_wait3A_41] : memref<288x64xf32, #tpu.memory_space<vmem>> -> memref<96x64xf32, #tpu.memory_space<vmem>>
    %dma_wait3A_43 = arith.constant 0 : i32
    %dma_wait3A_44 = tpu.memref_slice %arg5[%dma_wait3A, %dma_wait3A_43] : memref<3x96xi32, #tpu.memory_space<vmem>> -> memref<1x96xi32, #tpu.memory_space<vmem>>
    %dma_wait3A_45 = tpu.memref_squeeze %dma_wait3A_44 : memref<1x96xi32, #tpu.memory_space<vmem>> -> memref<96xi32, #tpu.memory_space<vmem>>
    %dma_wait3A_46 = arith.constant 0 : i32
    %dma_wait3A_47 = arith.constant 0 : i32
    %dma_wait3A_48 = tpu.memref_slice %arg2[%dma_wait3A_46, %dma_wait3A_47] : memref<1024x64xf32, #tpu.memory_space<hbm>> -> memref<1024x64xf32, #tpu.memory_space<hbm>>
    tpu.wait_indirect_dma semaphore(%arg7 : memref<!tpu.dma_semaphore, #tpu.memory_space<semaphore_mem>>) src(%dma_wait3A_48 : memref<1024x64xf32, #tpu.memory_space<hbm>>) dst(%dma_wait3A_42 : memref<96x64xf32, #tpu.memory_space<vmem>>)
    %dma_wait3A_49 = arith.constant 1 : i32
    %dma_wait3A_50 = arith.constant 96 : i32
    %dma_wait3A_51 = arith.constant 0 : i32
    %dma_wait3A_52 = tpu.memref_slice %arg6[%dma_wait3A_50, %dma_wait3A_51] : memref<288x64xf32, #tpu.memory_space<vmem>> -> memref<96x64xf32, #tpu.memory_space<vmem>>
    %dma_wait3A_53 = arith.constant 0 : i32
    %dma_wait3A_54 = tpu.memref_slice %arg5[%dma_wait3A_49, %dma_wait3A_53] : memref<3x96xi32, #tpu.memory_space<vmem>> -> memref<1x96xi32, #tpu.memory_space<vmem>>
    %dma_wait3A_55 = tpu.memref_squeeze %dma_wait3A_54 : memref<1x96xi32, #tpu.memory_space<vmem>> -> memref<96xi32, #tpu.memory_space<vmem>>
    %dma_wait3A_56 = arith.constant 0 : i32
    %dma_wait3A_57 = arith.constant 0 : i32
    %dma_wait3A_58 = tpu.memref_slice %arg2[%dma_wait3A_56, %dma_wait3A_57] : memref<1024x64xf32, #tpu.memory_space<hbm>> -> memref<1024x64xf32, #tpu.memory_space<hbm>>
    tpu.wait_indirect_dma semaphore(%arg7 : memref<!tpu.dma_semaphore, #tpu.memory_space<semaphore_mem>>) src(%dma_wait3A_58 : memref<1024x64xf32, #tpu.memory_space<hbm>>) dst(%dma_wait3A_52 : memref<96x64xf32, #tpu.memory_space<vmem>>)
    %dma_wait3A_59 = arith.constant 2 : i32
    %dma_wait3A_60 = arith.constant 192 : i32
    %dma_wait3A_61 = arith.constant 0 : i32
    %dma_wait3A_62 = tpu.memref_slice %arg6[%dma_wait3A_60, %dma_wait3A_61] : memref<288x64xf32, #tpu.memory_space<vmem>> -> memref<96x64xf32, #tpu.memory_space<vmem>>
    %dma_wait3A_63 = arith.constant 0 : i32
    %dma_wait3A_64 = tpu.memref_slice %arg5[%dma_wait3A_59, %dma_wait3A_63] : memref<3x96xi32, #tpu.memory_space<vmem>> -> memref<1x96xi32, #tpu.memory_space<vmem>>
    %dma_wait3A_65 = tpu.memref_squeeze %dma_wait3A_64 : memref<1x96xi32, #tpu.memory_space<vmem>> -> memref<96xi32, #tpu.memory_space<vmem>>
    %dma_wait3A_66 = arith.constant 0 : i32
    %dma_wait3A_67 = arith.constant 0 : i32
    %dma_wait3A_68 = tpu.memref_slice %arg2[%dma_wait3A_66, %dma_wait3A_67] : memref<1024x64xf32, #tpu.memory_space<hbm>> -> memref<1024x64xf32, #tpu.memory_space<hbm>>
    tpu.wait_indirect_dma semaphore(%arg7 : memref<!tpu.dma_semaphore, #tpu.memory_space<semaphore_mem>>) src(%dma_wait3A_68 : memref<1024x64xf32, #tpu.memory_space<hbm>>) dst(%dma_wait3A_62 : memref<96x64xf32, #tpu.memory_space<vmem>>)
    "tpu.region"() ({
      %run_scoped3A_69 = tpu.sem_alloc : memref<!tpu.dma_semaphore, #tpu.memory_space<semaphore_mem>>
      %dma_start3A_70 = arith.constant 0 : i32
      %dma_start3A_71 = tpu.memref_slice %arg4[%mul3A_2, %dma_start3A_70] : memref<9216x64xf32, #tpu.memory_space<hbm>> -> memref<288x64xf32, #tpu.memory_space<hbm>>
      %dma_start3A_72 = arith.constant 0 : i32
      %dma_start3A_73 = tpu.memref_slice %arg4[%mul3A_2, %dma_start3A_72] : memref<9216x64xf32, #tpu.memory_space<hbm>> -> memref<288x64xf32, #tpu.memory_space<hbm>>
      tpu.enqueue_dma source(%arg6 : memref<288x64xf32, #tpu.memory_space<vmem>>) target(%dma_start3A_73 : memref<288x64xf32, #tpu.memory_space<hbm>>) target_semaphore(%run_scoped3A_69 : memref<!tpu.dma_semaphore, #tpu.memory_space<semaphore_mem>>)
      %dma_wait3A_74 = arith.constant 0 : i32
      %dma_wait3A_75 = tpu.memref_slice %arg4[%mul3A_2, %dma_wait3A_74] : memref<9216x64xf32, #tpu.memory_space<hbm>> -> memref<288x64xf32, #tpu.memory_space<hbm>>
      %dma_wait3A_76 = arith.constant 0 : i32
      %dma_wait3A_77 = tpu.memref_slice %arg4[%mul3A_2, %dma_wait3A_76] : memref<9216x64xf32, #tpu.memory_space<hbm>> -> memref<288x64xf32, #tpu.memory_space<hbm>>
      tpu.wait_dma2 semaphore(%run_scoped3A_69 : memref<!tpu.dma_semaphore, #tpu.memory_space<semaphore_mem>>) src(%arg6 : memref<288x64xf32, #tpu.memory_space<vmem>>) dst(%dma_wait3A_77 : memref<288x64xf32, #tpu.memory_space<hbm>>)
      tpu.yield
    }) : () -> ()
    return
  }
}

#map = affine_map<(d0, d1) -> (0, 0)>
#map1 = affine_map<(d0, d1) -> (0)>
module attributes {stable_mosaic.version = 14 : i64} {
  func.func @_sc_gather(%arg0: i32, %arg1: i32, %arg2: memref<1024x64xf32, #tpu.memory_space<hbm>>, %arg3: memref<9216xi32, #tpu.memory_space<hbm>>, %arg4: memref<9216x64xf32, #tpu.memory_space<hbm>>, %arg5: memref<3x96xi32, #tpu.memory_space<vmem>>, %arg6: memref<288x64xf32, #tpu.memory_space<vmem>>, %arg7: memref<!tpu.dma_semaphore, #tpu.memory_space<semaphore_mem>>) attributes {dimension_semantics = [#tpu.dimension_semantics<core_parallel>, #tpu.dimension_semantics<subcore_parallel>], iteration_bounds = array<i64: 2, 16>, scalar_prefetch = 0 : i64, scratch_operands = 3 : i64, tpu.core_type = #tpu.core_type<sc_vector_subcore>, window_params = [{transform_indices = #map}, {transform_indices = #map1}, {transform_indices = #map}]} {
    %mul3A = arith.constant 2 : i32
    %mul3A_0 = arith.muli %arg1, %mul3A : i32
    %add3A = arith.addi %mul3A_0, %arg0 : i32
    %mul3A_1 = arith.constant 288 : i32
    %mul3A_2 = arith.muli %add3A, %mul3A_1 : i32
    %add3A_3 = arith.constant 0 : i32
    %add3A_4 = arith.addi %mul3A_2, %add3A_3 : i32
    %run_scoped3A = arith.constant 0 : i32
    "tpu.region"() ({
      %run_scoped3A_69 = tpu.sem_alloc : memref<!tpu.dma_semaphore, #tpu.memory_space<semaphore_mem>>
      %dma_start3A_70 = arith.constant 0 : i32
      %dma_start3A_71 = tpu.memref_slice %arg5[%run_scoped3A, %dma_start3A_70] : memref<3x96xi32, #tpu.memory_space<vmem>> -> memref<1x96xi32, #tpu.memory_space<vmem>>
      %dma_start3A_72 = tpu.memref_squeeze %dma_start3A_71 : memref<1x96xi32, #tpu.memory_space<vmem>> -> memref<96xi32, #tpu.memory_space<vmem>>
      %dma_start3A_73 = tpu.memref_slice %arg3[%add3A_4] : memref<9216xi32, #tpu.memory_space<hbm>> -> memref<96xi32, #tpu.memory_space<hbm>>
      %dma_start3A_74 = arith.constant 0 : i32
      %dma_start3A_75 = tpu.memref_slice %arg5[%run_scoped3A, %dma_start3A_74] : memref<3x96xi32, #tpu.memory_space<vmem>> -> memref<1x96xi32, #tpu.memory_space<vmem>>
      %dma_start3A_76 = tpu.memref_squeeze %dma_start3A_75 : memref<1x96xi32, #tpu.memory_space<vmem>> -> memref<96xi32, #tpu.memory_space<vmem>>
      %dma_start3A_77 = tpu.memref_slice %arg3[%add3A_4] : memref<9216xi32, #tpu.memory_space<hbm>> -> memref<96xi32, #tpu.memory_space<hbm>>
      tpu.enqueue_dma source(%dma_start3A_77 : memref<96xi32, #tpu.memory_space<hbm>>) target(%dma_start3A_76 : memref<96xi32, #tpu.memory_space<vmem>>) target_semaphore(%run_scoped3A_69 : memref<!tpu.dma_semaphore, #tpu.memory_space<semaphore_mem>>)
      %dma_wait3A_78 = arith.constant 0 : i32
      %dma_wait3A_79 = tpu.memref_slice %arg5[%run_scoped3A, %dma_wait3A_78] : memref<3x96xi32, #tpu.memory_space<vmem>> -> memref<1x96xi32, #tpu.memory_space<vmem>>
      %dma_wait3A_80 = tpu.memref_squeeze %dma_wait3A_79 : memref<1x96xi32, #tpu.memory_space<vmem>> -> memref<96xi32, #tpu.memory_space<vmem>>
      %dma_wait3A_81 = tpu.memref_slice %arg3[%add3A_4] : memref<9216xi32, #tpu.memory_space<hbm>> -> memref<96xi32, #tpu.memory_space<hbm>>
      %dma_wait3A_82 = arith.constant 0 : i32
      %dma_wait3A_83 = tpu.memref_slice %arg5[%run_scoped3A, %dma_wait3A_82] : memref<3x96xi32, #tpu.memory_space<vmem>> -> memref<1x96xi32, #tpu.memory_space<vmem>>
      %dma_wait3A_84 = tpu.memref_squeeze %dma_wait3A_83 : memref<1x96xi32, #tpu.memory_space<vmem>> -> memref<96xi32, #tpu.memory_space<vmem>>
      %dma_wait3A_85 = tpu.memref_slice %arg3[%add3A_4] : memref<9216xi32, #tpu.memory_space<hbm>> -> memref<96xi32, #tpu.memory_space<hbm>>
      tpu.wait_dma2 semaphore(%run_scoped3A_69 : memref<!tpu.dma_semaphore, #tpu.memory_space<semaphore_mem>>) src(%dma_wait3A_85 : memref<96xi32, #tpu.memory_space<hbm>>) dst(%dma_wait3A_84 : memref<96xi32, #tpu.memory_space<vmem>>)
      tpu.yield
    }) : () -> ()
    %add3A_5 = arith.constant 96 : i32
    %add3A_6 = arith.addi %mul3A_2, %add3A_5 : i32
    %run_scoped3A_7 = arith.constant 1 : i32
    "tpu.region"() ({
      %run_scoped3A_69 = tpu.sem_alloc : memref<!tpu.dma_semaphore, #tpu.memory_space<semaphore_mem>>
      %dma_start3A_70 = arith.constant 0 : i32
      %dma_start3A_71 = tpu.memref_slice %arg5[%run_scoped3A_7, %dma_start3A_70] : memref<3x96xi32, #tpu.memory_space<vmem>> -> memref<1x96xi32, #tpu.memory_space<vmem>>
      %dma_start3A_72 = tpu.memref_squeeze %dma_start3A_71 : memref<1x96xi32, #tpu.memory_space<vmem>> -> memref<96xi32, #tpu.memory_space<vmem>>
      %dma_start3A_73 = tpu.memref_slice %arg3[%add3A_6] : memref<9216xi32, #tpu.memory_space<hbm>> -> memref<96xi32, #tpu.memory_space<hbm>>
      %dma_start3A_74 = arith.constant 0 : i32
      %dma_start3A_75 = tpu.memref_slice %arg5[%run_scoped3A_7, %dma_start3A_74] : memref<3x96xi32, #tpu.memory_space<vmem>> -> memref<1x96xi32, #tpu.memory_space<vmem>>
      %dma_start3A_76 = tpu.memref_squeeze %dma_start3A_75 : memref<1x96xi32, #tpu.memory_space<vmem>> -> memref<96xi32, #tpu.memory_space<vmem>>
      %dma_start3A_77 = tpu.memref_slice %arg3[%add3A_6] : memref<9216xi32, #tpu.memory_space<hbm>> -> memref<96xi32, #tpu.memory_space<hbm>>
      tpu.enqueue_dma source(%dma_start3A_77 : memref<96xi32, #tpu.memory_space<hbm>>) target(%dma_start3A_76 : memref<96xi32, #tpu.memory_space<vmem>>) target_semaphore(%run_scoped3A_69 : memref<!tpu.dma_semaphore, #tpu.memory_space<semaphore_mem>>)
      %dma_wait3A_78 = arith.constant 0 : i32
      %dma_wait3A_79 = tpu.memref_slice %arg5[%run_scoped3A_7, %dma_wait3A_78] : memref<3x96xi32, #tpu.memory_space<vmem>> -> memref<1x96xi32, #tpu.memory_space<vmem>>
      %dma_wait3A_80 = tpu.memref_squeeze %dma_wait3A_79 : memref<1x96xi32, #tpu.memory_space<vmem>> -> memref<96xi32, #tpu.memory_space<vmem>>
      %dma_wait3A_81 = tpu.memref_slice %arg3[%add3A_6] : memref<9216xi32, #tpu.memory_space<hbm>> -> memref<96xi32, #tpu.memory_space<hbm>>
      %dma_wait3A_82 = arith.constant 0 : i32
      %dma_wait3A_83 = tpu.memref_slice %arg5[%run_scoped3A_7, %dma_wait3A_82] : memref<3x96xi32, #tpu.memory_space<vmem>> -> memref<1x96xi32, #tpu.memory_space<vmem>>
      %dma_wait3A_84 = tpu.memref_squeeze %dma_wait3A_83 : memref<1x96xi32, #tpu.memory_space<vmem>> -> memref<96xi32, #tpu.memory_space<vmem>>
      %dma_wait3A_85 = tpu.memref_slice %arg3[%add3A_6] : memref<9216xi32, #tpu.memory_space<hbm>> -> memref<96xi32, #tpu.memory_space<hbm>>
      tpu.wait_dma2 semaphore(%run_scoped3A_69 : memref<!tpu.dma_semaphore, #tpu.memory_space<semaphore_mem>>) src(%dma_wait3A_85 : memref<96xi32, #tpu.memory_space<hbm>>) dst(%dma_wait3A_84 : memref<96xi32, #tpu.memory_space<vmem>>)
      tpu.yield
    }) : () -> ()
    %add3A_8 = arith.constant 192 : i32
    %add3A_9 = arith.addi %mul3A_2, %add3A_8 : i32
    %run_scoped3A_10 = arith.constant 2 : i32
    "tpu.region"() ({
      %run_scoped3A_69 = tpu.sem_alloc : memref<!tpu.dma_semaphore, #tpu.memory_space<semaphore_mem>>
      %dma_start3A_70 = arith.constant 0 : i32
      %dma_start3A_71 = tpu.memref_slice %arg5[%run_scoped3A_10, %dma_start3A_70] : memref<3x96xi32, #tpu.memory_space<vmem>> -> memref<1x96xi32, #tpu.memory_space<vmem>>
      %dma_start3A_72 = tpu.memref_squeeze %dma_start3A_71 : memref<1x96xi32, #tpu.memory_space<vmem>> -> memref<96xi32, #tpu.memory_space<vmem>>
      %dma_start3A_73 = tpu.memref_slice %arg3[%add3A_9] : memref<9216xi32, #tpu.memory_space<hbm>> -> memref<96xi32, #tpu.memory_space<hbm>>
      %dma_start3A_74 = arith.constant 0 : i32
      %dma_start3A_75 = tpu.memref_slice %arg5[%run_scoped3A_10, %dma_start3A_74] : memref<3x96xi32, #tpu.memory_space<vmem>> -> memref<1x96xi32, #tpu.memory_space<vmem>>
      %dma_start3A_76 = tpu.memref_squeeze %dma_start3A_75 : memref<1x96xi32, #tpu.memory_space<vmem>> -> memref<96xi32, #tpu.memory_space<vmem>>
      %dma_start3A_77 = tpu.memref_slice %arg3[%add3A_9] : memref<9216xi32, #tpu.memory_space<hbm>> -> memref<96xi32, #tpu.memory_space<hbm>>
      tpu.enqueue_dma source(%dma_start3A_77 : memref<96xi32, #tpu.memory_space<hbm>>) target(%dma_start3A_76 : memref<96xi32, #tpu.memory_space<vmem>>) target_semaphore(%run_scoped3A_69 : memref<!tpu.dma_semaphore, #tpu.memory_space<semaphore_mem>>)
      %dma_wait3A_78 = arith.constant 0 : i32
      %dma_wait3A_79 = tpu.memref_slice %arg5[%run_scoped3A_10, %dma_wait3A_78] : memref<3x96xi32, #tpu.memory_space<vmem>> -> memref<1x96xi32, #tpu.memory_space<vmem>>
      %dma_wait3A_80 = tpu.memref_squeeze %dma_wait3A_79 : memref<1x96xi32, #tpu.memory_space<vmem>> -> memref<96xi32, #tpu.memory_space<vmem>>
      %dma_wait3A_81 = tpu.memref_slice %arg3[%add3A_9] : memref<9216xi32, #tpu.memory_space<hbm>> -> memref<96xi32, #tpu.memory_space<hbm>>
      %dma_wait3A_82 = arith.constant 0 : i32
      %dma_wait3A_83 = tpu.memref_slice %arg5[%run_scoped3A_10, %dma_wait3A_82] : memref<3x96xi32, #tpu.memory_space<vmem>> -> memref<1x96xi32, #tpu.memory_space<vmem>>
      %dma_wait3A_84 = tpu.memref_squeeze %dma_wait3A_83 : memref<1x96xi32, #tpu.memory_space<vmem>> -> memref<96xi32, #tpu.memory_space<vmem>>
      %dma_wait3A_85 = tpu.memref_slice %arg3[%add3A_9] : memref<9216xi32, #tpu.memory_space<hbm>> -> memref<96xi32, #tpu.memory_space<hbm>>
      tpu.wait_dma2 semaphore(%run_scoped3A_69 : memref<!tpu.dma_semaphore, #tpu.memory_space<semaphore_mem>>) src(%dma_wait3A_85 : memref<96xi32, #tpu.memory_space<hbm>>) dst(%dma_wait3A_84 : memref<96xi32, #tpu.memory_space<vmem>>)
      tpu.yield
    }) : () -> ()
    %dma_start3A = arith.constant 0 : i32
    %dma_start3A_11 = arith.constant 0 : i32
    %dma_start3A_12 = arith.constant 0 : i32
    %dma_start3A_13 = tpu.memref_slice %arg6[%dma_start3A_11, %dma_start3A_12] : memref<288x64xf32, #tpu.memory_space<vmem>> -> memref<96x64xf32, #tpu.memory_space<vmem>>
    %dma_start3A_14 = arith.constant 0 : i32
    %dma_start3A_15 = tpu.memref_slice %arg5[%dma_start3A, %dma_start3A_14] : memref<3x96xi32, #tpu.memory_space<vmem>> -> memref<1x96xi32, #tpu.memory_space<vmem>>
    %dma_start3A_16 = tpu.memref_squeeze %dma_start3A_15 : memref<1x96xi32, #tpu.memory_space<vmem>> -> memref<96xi32, #tpu.memory_space<vmem>>
    %dma_start3A_17 = arith.constant 0 : i32
    %dma_start3A_18 = arith.constant 0 : i32
    %dma_start3A_19 = tpu.memref_slice %arg2[%dma_start3A_17, %dma_start3A_18] : memref<1024x64xf32, #tpu.memory_space<hbm>> -> memref<1024x64xf32, #tpu.memory_space<hbm>>
    tpu.enqueue_indirect_dma source(%dma_start3A_19 : memref<1024x64xf32, #tpu.memory_space<hbm>>) target(%dma_start3A_13 : memref<96x64xf32, #tpu.memory_space<vmem>>) offsets(%dma_start3A_16 : memref<96xi32, #tpu.memory_space<vmem>>) semaphore(%arg7 : memref<!tpu.dma_semaphore, #tpu.memory_space<semaphore_mem>>)
    %dma_start3A_20 = arith.constant 1 : i32
    %dma_start3A_21 = arith.constant 96 : i32
    %dma_start3A_22 = arith.constant 0 : i32
    %dma_start3A_23 = tpu.memref_slice %arg6[%dma_start3A_21, %dma_start3A_22] : memref<288x64xf32, #tpu.memory_space<vmem>> -> memref<96x64xf32, #tpu.memory_space<vmem>>
    %dma_start3A_24 = arith.constant 0 : i32
    %dma_start3A_25 = tpu.memref_slice %arg5[%dma_start3A_20, %dma_start3A_24] : memref<3x96xi32, #tpu.memory_space<vmem>> -> memref<1x96xi32, #tpu.memory_space<vmem>>
    %dma_start3A_26 = tpu.memref_squeeze %dma_start3A_25 : memref<1x96xi32, #tpu.memory_space<vmem>> -> memref<96xi32, #tpu.memory_space<vmem>>
    %dma_start3A_27 = arith.constant 0 : i32
    %dma_start3A_28 = arith.constant 0 : i32
    %dma_start3A_29 = tpu.memref_slice %arg2[%dma_start3A_27, %dma_start3A_28] : memref<1024x64xf32, #tpu.memory_space<hbm>> -> memref<1024x64xf32, #tpu.memory_space<hbm>>
    tpu.enqueue_indirect_dma source(%dma_start3A_29 : memref<1024x64xf32, #tpu.memory_space<hbm>>) target(%dma_start3A_23 : memref<96x64xf32, #tpu.memory_space<vmem>>) offsets(%dma_start3A_26 : memref<96xi32, #tpu.memory_space<vmem>>) semaphore(%arg7 : memref<!tpu.dma_semaphore, #tpu.memory_space<semaphore_mem>>)
    %dma_start3A_30 = arith.constant 2 : i32
    %dma_start3A_31 = arith.constant 192 : i32
    %dma_start3A_32 = arith.constant 0 : i32
    %dma_start3A_33 = tpu.memref_slice %arg6[%dma_start3A_31, %dma_start3A_32] : memref<288x64xf32, #tpu.memory_space<vmem>> -> memref<96x64xf32, #tpu.memory_space<vmem>>
    %dma_start3A_34 = arith.constant 0 : i32
    %dma_start3A_35 = tpu.memref_slice %arg5[%dma_start3A_30, %dma_start3A_34] : memref<3x96xi32, #tpu.memory_space<vmem>> -> memref<1x96xi32, #tpu.memory_space<vmem>>
    %dma_start3A_36 = tpu.memref_squeeze %dma_start3A_35 : memref<1x96xi32, #tpu.memory_space<vmem>> -> memref<96xi32, #tpu.memory_space<vmem>>
    %dma_start3A_37 = arith.constant 0 : i32
    %dma_start3A_38 = arith.constant 0 : i32
    %dma_start3A_39 = tpu.memref_slice %arg2[%dma_start3A_37, %dma_start3A_38] : memref<1024x64xf32, #tpu.memory_space<hbm>> -> memref<1024x64xf32, #tpu.memory_space<hbm>>
    tpu.enqueue_indirect_dma source(%dma_start3A_39 : memref<1024x64xf32, #tpu.memory_space<hbm>>) target(%dma_start3A_33 : memref<96x64xf32, #tpu.memory_space<vmem>>) offsets(%dma_start3A_36 : memref<96xi32, #tpu.memory_space<vmem>>) semaphore(%arg7 : memref<!tpu.dma_semaphore, #tpu.memory_space<semaphore_mem>>)
    %dma_wait3A = arith.constant 0 : i32
    %dma_wait3A_40 = arith.constant 0 : i32
    %dma_wait3A_41 = arith.constant 0 : i32
    %dma_wait3A_42 = tpu.memref_slice %arg6[%dma_wait3A_40, %dma_wait3A_41] : memref<288x64xf32, #tpu.memory_space<vmem>> -> memref<96x64xf32, #tpu.memory_space<vmem>>
    %dma_wait3A_43 = arith.constant 0 : i32
    %dma_wait3A_44 = tpu.memref_slice %arg5[%dma_wait3A, %dma_wait3A_43] : memref<3x96xi32, #tpu.memory_space<vmem>> -> memref<1x96xi32, #tpu.memory_space<vmem>>
    %dma_wait3A_45 = tpu.memref_squeeze %dma_wait3A_44 : memref<1x96xi32, #tpu.memory_space<vmem>> -> memref<96xi32, #tpu.memory_space<vmem>>
    %dma_wait3A_46 = arith.constant 0 : i32
    %dma_wait3A_47 = arith.constant 0 : i32
    %dma_wait3A_48 = tpu.memref_slice %arg2[%dma_wait3A_46, %dma_wait3A_47] : memref<1024x64xf32, #tpu.memory_space<hbm>> -> memref<1024x64xf32, #tpu.memory_space<hbm>>
    tpu.wait_indirect_dma semaphore(%arg7 : memref<!tpu.dma_semaphore, #tpu.memory_space<semaphore_mem>>) src(%dma_wait3A_48 : memref<1024x64xf32, #tpu.memory_space<hbm>>) dst(%dma_wait3A_42 : memref<96x64xf32, #tpu.memory_space<vmem>>)
    %dma_wait3A_49 = arith.constant 1 : i32
    %dma_wait3A_50 = arith.constant 96 : i32
    %dma_wait3A_51 = arith.constant 0 : i32
    %dma_wait3A_52 = tpu.memref_slice %arg6[%dma_wait3A_50, %dma_wait3A_51] : memref<288x64xf32, #tpu.memory_space<vmem>> -> memref<96x64xf32, #tpu.memory_space<vmem>>
    %dma_wait3A_53 = arith.constant 0 : i32
    %dma_wait3A_54 = tpu.memref_slice %arg5[%dma_wait3A_49, %dma_wait3A_53] : memref<3x96xi32, #tpu.memory_space<vmem>> -> memref<1x96xi32, #tpu.memory_space<vmem>>
    %dma_wait3A_55 = tpu.memref_squeeze %dma_wait3A_54 : memref<1x96xi32, #tpu.memory_space<vmem>> -> memref<96xi32, #tpu.memory_space<vmem>>
    %dma_wait3A_56 = arith.constant 0 : i32
    %dma_wait3A_57 = arith.constant 0 : i32
    %dma_wait3A_58 = tpu.memref_slice %arg2[%dma_wait3A_56, %dma_wait3A_57] : memref<1024x64xf32, #tpu.memory_space<hbm>> -> memref<1024x64xf32, #tpu.memory_space<hbm>>
    tpu.wait_indirect_dma semaphore(%arg7 : memref<!tpu.dma_semaphore, #tpu.memory_space<semaphore_mem>>) src(%dma_wait3A_58 : memref<1024x64xf32, #tpu.memory_space<hbm>>) dst(%dma_wait3A_52 : memref<96x64xf32, #tpu.memory_space<vmem>>)
    %dma_wait3A_59 = arith.constant 2 : i32
    %dma_wait3A_60 = arith.constant 192 : i32
    %dma_wait3A_61 = arith.constant 0 : i32
    %dma_wait3A_62 = tpu.memref_slice %arg6[%dma_wait3A_60, %dma_wait3A_61] : memref<288x64xf32, #tpu.memory_space<vmem>> -> memref<96x64xf32, #tpu.memory_space<vmem>>
    %dma_wait3A_63 = arith.constant 0 : i32
    %dma_wait3A_64 = tpu.memref_slice %arg5[%dma_wait3A_59, %dma_wait3A_63] : memref<3x96xi32, #tpu.memory_space<vmem>> -> memref<1x96xi32, #tpu.memory_space<vmem>>
    %dma_wait3A_65 = tpu.memref_squeeze %dma_wait3A_64 : memref<1x96xi32, #tpu.memory_space<vmem>> -> memref<96xi32, #tpu.memory_space<vmem>>
    %dma_wait3A_66 = arith.constant 0 : i32
    %dma_wait3A_67 = arith.constant 0 : i32
    %dma_wait3A_68 = tpu.memref_slice %arg2[%dma_wait3A_66, %dma_wait3A_67] : memref<1024x64xf32, #tpu.memory_space<hbm>> -> memref<1024x64xf32, #tpu.memory_space<hbm>>
    tpu.wait_indirect_dma semaphore(%arg7 : memref<!tpu.dma_semaphore, #tpu.memory_space<semaphore_mem>>) src(%dma_wait3A_68 : memref<1024x64xf32, #tpu.memory_space<hbm>>) dst(%dma_wait3A_62 : memref<96x64xf32, #tpu.memory_space<vmem>>)
    "tpu.region"() ({
      %run_scoped3A_69 = tpu.sem_alloc : memref<!tpu.dma_semaphore, #tpu.memory_space<semaphore_mem>>
      %dma_start3A_70 = arith.constant 0 : i32
      %dma_start3A_71 = tpu.memref_slice %arg4[%mul3A_2, %dma_start3A_70] : memref<9216x64xf32, #tpu.memory_space<hbm>> -> memref<288x64xf32, #tpu.memory_space<hbm>>
      %dma_start3A_72 = arith.constant 0 : i32
      %dma_start3A_73 = tpu.memref_slice %arg4[%mul3A_2, %dma_start3A_72] : memref<9216x64xf32, #tpu.memory_space<hbm>> -> memref<288x64xf32, #tpu.memory_space<hbm>>
      tpu.enqueue_dma source(%arg6 : memref<288x64xf32, #tpu.memory_space<vmem>>) target(%dma_start3A_73 : memref<288x64xf32, #tpu.memory_space<hbm>>) target_semaphore(%run_scoped3A_69 : memref<!tpu.dma_semaphore, #tpu.memory_space<semaphore_mem>>)
      %dma_wait3A_74 = arith.constant 0 : i32
      %dma_wait3A_75 = tpu.memref_slice %arg4[%mul3A_2, %dma_wait3A_74] : memref<9216x64xf32, #tpu.memory_space<hbm>> -> memref<288x64xf32, #tpu.memory_space<hbm>>
      %dma_wait3A_76 = arith.constant 0 : i32
      %dma_wait3A_77 = tpu.memref_slice %arg4[%mul3A_2, %dma_wait3A_76] : memref<9216x64xf32, #tpu.memory_space<hbm>> -> memref<288x64xf32, #tpu.memory_space<hbm>>
      tpu.wait_dma2 semaphore(%run_scoped3A_69 : memref<!tpu.dma_semaphore, #tpu.memory_space<semaphore_mem>>) src(%arg6 : memref<288x64xf32, #tpu.memory_space<vmem>>) dst(%dma_wait3A_77 : memref<288x64xf32, #tpu.memory_space<hbm>>)
      tpu.yield
    }) : () -> ()
    return
  }
}

module attributes {stable_mosaic.version = 14 : i64} {
  func.func @_vq_block(%arg0: i32, %arg1: memref<3072x64xf32, #tpu.memory_space<vmem>>, %arg2: memref<1024x64xf32, #tpu.memory_space<vmem>>, %arg3: memref<3072x1xf32, #tpu.memory_space<vmem>>, %arg4: memref<1x1024xf32, #tpu.memory_space<vmem>>, %arg5: memref<1x1024xf32, #tpu.memory_space<vmem>>, %arg6: memref<3072xi32, #tpu.memory_space<vmem>>, %arg7: memref<1x1x1xf32, #tpu.memory_space<vmem>>) attributes {dimension_semantics = [#tpu.dimension_semantics<parallel>], iteration_bounds = array<i64: 3>, scalar_prefetch = 0 : i64, scratch_operands = 0 : i64, tpu.core_type = #tpu.core_type<tc>, window_params = [{transform_indices = @transform_0, window_bounds = array<i64: 3072, 64>}, {pipeline_mode = #tpu.pipeline_mode<synchronous>, transform_indices = @transform_1, window_bounds = array<i64: 1024, 64>}, {transform_indices = @transform_2, window_bounds = array<i64: 3072, 1>}, {pipeline_mode = #tpu.pipeline_mode<synchronous>, transform_indices = @transform_3, window_bounds = array<i64: 1, 1024>}, {pipeline_mode = #tpu.pipeline_mode<synchronous>, transform_indices = @transform_4, window_bounds = array<i64: 1, 1024>}, {transform_indices = @transform_5, window_bounds = array<i64: 3072>}, {transform_indices = @transform_6, window_bounds = array<i64: 1, 1, 1>}]} {
    %get3A = arith.constant 0 : index
    %get3A_0 = arith.constant 0 : index
    %get3A_1 = vector.load %arg1[%get3A, %get3A_0] : memref<3072x64xf32, #tpu.memory_space<vmem>>, vector<3072x64xf32>
    %get3A_2 = arith.constant 0 : index
    %get3A_3 = arith.constant 0 : index
    %get3A_4 = vector.load %arg2[%get3A_2, %get3A_3] : memref<1024x64xf32, #tpu.memory_space<vmem>>, vector<1024x64xf32>
    %dot_general3A = arith.constant dense<0.000000e+00> : vector<3072x1024xf32>
    %dot_general3A_5 = tpu.matmul %get3A_1, %get3A_4, %dot_general3A {dimension_numbers = #tpu.dot_dimension_numbers<[1], [1], [0], [0], [0, 0, 1, 0], [], []>, transpose_lhs_hint = false} : vector<3072x64xf32>, vector<1024x64xf32>, vector<3072x1024xf32> -> vector<3072x1024xf32>
    %get3A_6 = arith.constant 0 : index
    %get3A_7 = arith.constant 0 : index
    %get3A_8 = vector.load %arg3[%get3A_6, %get3A_7] : memref<3072x1xf32, #tpu.memory_space<vmem>>, vector<3072x1xf32>
    %get3A_9 = arith.constant 0 : index
    %get3A_10 = arith.constant 0 : index
    %get3A_11 = vector.load %arg4[%get3A_9, %get3A_10] : memref<1x1024xf32, #tpu.memory_space<vmem>>, vector<1x1024xf32>
    %add3A = vector.broadcast %get3A_8 : vector<3072x1xf32> to vector<3072x1024xf32>
    %add3A_12 = vector.broadcast %get3A_11 : vector<1x1024xf32> to vector<3072x1024xf32>
    %add3A_13 = arith.addf %add3A, %add3A_12 : vector<3072x1024xf32>
    %add3A_14 = arith.addf %add3A_13, %dot_general3A_5 : vector<3072x1024xf32>
    %reduce_min3A = arith.constant dense<0x7F800000> : vector<3072xf32>
    %reduce_min3A_15 = vector.multi_reduction <minimumf>, %add3A_14, %reduce_min3A [1] : vector<3072x1024xf32> to vector<3072xf32>
    %broadcast_in_dim3A = vector.shape_cast %reduce_min3A_15 : vector<3072xf32> to vector<3072x1xf32>
    %get3A_16 = arith.constant 0 : index
    %get3A_17 = arith.constant 0 : index
    %get3A_18 = vector.load %arg5[%get3A_16, %get3A_17] : memref<1x1024xf32, #tpu.memory_space<vmem>>, vector<1x1024xf32>
    %eq3A = vector.broadcast %broadcast_in_dim3A : vector<3072x1xf32> to vector<3072x1024xf32>
    %eq3A_19 = arith.cmpf oeq, %add3A_14, %eq3A : vector<3072x1024xf32>
    %jit3A = arith.constant 1.024000e+03 : f32
    %broadcast_in_dim3A_20 = vector.shape_cast %get3A_18 : vector<1x1024xf32> to vector<1x1024xf32>
    %broadcast_in_dim3A_21 = vector.broadcast %broadcast_in_dim3A_20 : vector<1x1024xf32> to vector<3072x1024xf32>
    %broadcast_in_dim3A_22 = vector.broadcast %jit3A : f32 to vector<3072x1024xf32>
    %select_n3A = arith.select %eq3A_19, %broadcast_in_dim3A_21, %broadcast_in_dim3A_22 : vector<3072x1024xi1>, vector<3072x1024xf32>
    %reduce_min3A_23 = arith.constant dense<0x7F800000> : vector<3072xf32>
    %reduce_min3A_24 = vector.multi_reduction <minimumf>, %select_n3A, %reduce_min3A_23 [1] : vector<3072x1024xf32> to vector<3072xf32>
    %broadcast_in_dim3A_25 = vector.shape_cast %reduce_min3A_24 : vector<3072xf32> to vector<3072x1xf32>
    %squeeze3A = vector.shape_cast %broadcast_in_dim3A_25 : vector<3072x1xf32> to vector<3072xf32>
    %convert_element_type3A = arith.fptosi %squeeze3A : vector<3072xf32> to vector<3072xi32>
    %swap3A = arith.constant 0 : index
    %swap3A_26 = vector.load %arg6[%swap3A] : memref<3072xi32, #tpu.memory_space<vmem>>, vector<3072xi32>
    tpu.vector_store %arg6[%swap3A], %convert_element_type3A {strides = array<i32>} : memref<3072xi32, #tpu.memory_space<vmem>>, vector<3072xi32>,
    %reduce_sum3A = vector.shape_cast %broadcast_in_dim3A : vector<3072x1xf32> to vector<1x3072x1xf32>
    %reduce_sum3A_27 = arith.constant dense<0.000000e+00> : vector<1xf32>
    %reduce_sum3A_28 = vector.multi_reduction <add>, %reduce_sum3A, %reduce_sum3A_27 [1, 2] : vector<1x3072x1xf32> to vector<1xf32>
    %reduce_sum3A_29 = vector.shape_cast %reduce_sum3A_28 : vector<1xf32> to vector<1x1x1xf32>
    %reduce_sum3A_30 = vector.extract %reduce_sum3A_29[0, 0, 0] : f32 from vector<1x1x1xf32>
    %broadcast_in_dim3A_31 = vector.broadcast %reduce_sum3A_30 : f32 to vector<1x1x1xf32>
    %swap3A_32 = arith.constant 0 : index
    %swap3A_33 = arith.constant 0 : index
    %swap3A_34 = arith.constant 0 : index
    %swap3A_35 = vector.load %arg7[%swap3A_32, %swap3A_33, %swap3A_34] : memref<1x1x1xf32, #tpu.memory_space<vmem>>, vector<1x1x1xf32>
    tpu.vector_store %arg7[%swap3A_32, %swap3A_33, %swap3A_34], %broadcast_in_dim3A_31 {strides = array<i32>} : memref<1x1x1xf32, #tpu.memory_space<vmem>>, vector<1x1x1xf32>,
    return
  }
  func.func @transform_0(%arg0: i32) -> (i32, i32) {
    %c0_i32 = arith.constant 0 : i32
    %c0_i32_0 = arith.constant 0 : i32
    return %arg0, %c0_i32 : i32, i32
  }
  func.func @transform_1(%arg0: i32) -> (i32, i32) {
    %c0_i32 = arith.constant 0 : i32
    %c0_i32_0 = arith.constant 0 : i32
    %c0_i32_1 = arith.constant 0 : i32
    return %c0_i32, %c0_i32_0 : i32, i32
  }
  func.func @transform_2(%arg0: i32) -> (i32, i32) {
    %c0_i32 = arith.constant 0 : i32
    %c0_i32_0 = arith.constant 0 : i32
    return %arg0, %c0_i32 : i32, i32
  }
  func.func @transform_3(%arg0: i32) -> (i32, i32) {
    %c0_i32 = arith.constant 0 : i32
    %c0_i32_0 = arith.constant 0 : i32
    %c0_i32_1 = arith.constant 0 : i32
    return %c0_i32, %c0_i32_0 : i32, i32
  }
  func.func @transform_4(%arg0: i32) -> (i32, i32) {
    %c0_i32 = arith.constant 0 : i32
    %c0_i32_0 = arith.constant 0 : i32
    %c0_i32_1 = arith.constant 0 : i32
    return %c0_i32, %c0_i32_0 : i32, i32
  }
  func.func @transform_5(%arg0: i32) -> i32 {
    %c0_i32 = arith.constant 0 : i32
    return %arg0 : i32
  }
  func.func @transform_6(%arg0: i32) -> (i32, i32, i32) {
    %c0_i32 = arith.constant 0 : i32
    %c0_i32_0 = arith.constant 0 : i32
    %c0_i32_1 = arith.constant 0 : i32
    return %arg0, %c0_i32, %c0_i32_0 : i32, i32, i32
  }
}

</mosaic_0001>

<sc_bundles>
// kernel: kernel.6.cloned.1.call-start
scs
__scs_entry_jumppad:
0x0: {  	(pc) =	sbr.rel $0x88, $3  }
0x1: {  	(tag) =	ssettag $0x0;
	lr =	simm.s32 $0x1  }
0x2: {  	[smem:$0x3F9F] =	sst lr;
	_ =	strace $0xD0000000  }
0x3: {  	_ = 	snop  }
0x4: {  	_ = 	snop  }
0x5: {  	_ = 	snop  }
0x6: {  	_ = 	snop  }
0x7: {  	_ = 	snop  }
__scs_overlays_trampoline_lowered:
0x8: {  	[smem:$0x3FAE] =	sst s0  }
0x9: {  	[smem:$0x3FAF] =	sst s1  }
0xa: {  	[smem:$0x3FB0] =	sst s2  }
0xb: {  	[smem:$0x3FB1] =	sst s3  }
0xc: {  	[smem:$0x3FB2] =	sst s4  }
0xd: {  	[smem:$0x3FB3] =	sst s5  }
0xe: {  	[smem:$0x3FB4] =	sst s6  }
0xf: {  	[smem:$0x3FB5] =	sst s7  }
0x10: {  	[smem:$0x3FB6] =	sst s8  }
0x11: {  	[smem:$0x3FB7] =	sst s9;
	s0 =	simm.s32 @!p0 $0x0  }
0x12: {  	s1 =	sld [smem:$0x3F9D];
	s0 =	simm.s32 @p0 $0x1  }
0x13: {  	[smem:$0x3FB8] =	sst s0;
	s0 =	simm.s32 @!p1 $0x0  }
0x14: {  	s2 =	sld [smem:$0x3F9C];
	s0 =	simm.s32 @p1 $0x1  }
0x15: {  	[smem:$0x3FB9] =	sst s0;
	s0 =	simm.s32 @!p2 $0x0  }
0x16: {  	s3 =	sld [smem:$0x3FDB];
	s0 =	simm.s32 @p2 $0x1  }
0x17: {  	s4 =	simm.s32 $0x1BF5;
	[smem:$0x3FBB] =	sst s0  }
0x18: {  	s0 =	sld [smem:$0x3F9E];
	_ =	swait.ge [sflag:s4], $0x0  }
0x19: {  	s7 =	sld [smem:$0x3F9F]  }
0x1a: {  	s8 =	sadd.s32 $0xFFFFE003, lr  }
0x1b: {  	s9 =	sadd.s32 $0xFFFFFEF7, lr;
	s5 =	simm.s32 $0xFFFFFFFF;
	p2 =	slt.u32 s8, $0xFFFFF086  }
0x1c: {  	p1 =	slt.u32 s9, $0xF7A;
	s5 =	simm.s32 @!p2 $0x0  }
0x1d: {  	s5 =	simm.s32 @p1 $0x1;
	p0 =	seq.s32 s7, s2  }
0x1e: {  	s7 =	smul.u32 @!p0 $0xF7A, s2;
	p2 =	seq.s32 @!p0 s5, $0x0  }
0x1f: {  	s9 =	smul.u32 $0xF7A, s1;
	s8 =	simm.s32 @!p0 $0x1BF5;
	p2 =	por !p2, p0  }
0x20: {  	[sflag:s8] =	ssyncset.s32 @!p0 $0xFFFFF086;
	s6 =	sadd.s32 @!p0 s3, s7;
	s7 =	simm.s32 @!p0 $0x108  }
0x21: {  	s3 =	sadd.s32 s3, s9;
	s6 =	sadd.s32 @!p0 $0x88, s6;
	s7 =	simm.s32 @p2 $0x1082  }
0x22: {  	[simem:s7], [sflag:s8] =	dma.local @!p0 [hbm:s6], $0xF7A  }
0x23: {  	s9 =	sor.u32 $0xD0000000, s2;
	s6 =	simm.s32 $0x108;
	_ =	swait.ge @!p0 [sflag:s8], $0x0  }
0x24: {  	s3 =	sadd.s32 $0x88, s3;
	s6 =	simm.s32 @!p1 $0x1082;
	[sflag:s4] =	ssyncset.s32 $0xFFFFF086  }
0x25: {  	[simem:s6], [sflag:s4] =	dma.local [hbm:s3], $0xF7A  }
0x26: {  	[smem:$0x3F9F] =	sst s1;
	(tag) =	ssettag s2;
	_ =	strace s9  }
0x27: {  	s1 =	sld [smem:$0x3FAF]  }
0x28: {  	s2 =	sld [smem:$0x3FB0]  }
0x29: {  	s4 =	sld [smem:$0x3FB2]  }
0x2a: {  	p0 =	seq.s32 s5, $0x0;
	s5 =	sld [smem:$0x3FB3]  }
0x2b: {  	s6 =	sld [smem:$0x3FB4]  }
0x2c: {  	s7 =	sld [smem:$0x3FB5]  }
0x2d: {  	s3 =	simm.s32 $0x108;
	s8 =	sld [smem:$0x3FB6]  }
0x2e: {  	s3 =	simm.s32 @!p0 $0x1082;
	s9 =	sld [smem:$0x3FB7]  }
0x2f: {  	lr =	sadd.s32 s0, s3;
	s0 =	sld [smem:$0x3FAE]  }
0x30: {  	s3 =	sld [smem:$0x3FB1]  }
0x31: {  	[smem:$0x3FBA] =	sst s10  }
0x32: {  	s10 =	sld [smem:$0x3FB8];
	_ =	sdelay $0x3  }
0x33: {  	p0 =	seq.s32 s10, $0x1;
	s10 =	sld [smem:$0x3FBA];
	_ =	sdelay $0x3  }
0x34: {  	[smem:$0x3FBA] =	sst s10  }
0x35: {  	s10 =	sld [smem:$0x3FB9];
	_ =	sdelay $0x3  }
0x36: {  	p1 =	seq.s32 s10, $0x1;
	s10 =	sld [smem:$0x3FBA];
	_ =	sdelay $0x3  }
0x37: {  	[smem:$0x3FBA] =	sst s10  }
0x38: {  	s10 =	sld [smem:$0x3FBB]  }
0x39: {  	_ = 	snop;
	(pc) =	sbr.ind lr, $3  }
0x3a: {  	_ = 	snop  }
0x3b: {  	_ = 	snop  }
0x3c: {  	p2 =	seq.s32 s10, $0x1;
	s10 =	sld [smem:$0x3FBA]  }
0x3d: {  	_ =	shalt  }
0x3e: {  	_ =	shalt  }
0x3f: {  	_ =	shalt  }
0x40: {  	_ =	shalt  }
0x41: {  	_ =	shalt  }
0x42: {  	_ =	shalt  }
0x43: {  	_ =	shalt  }
0x44: {  	_ =	shalt  }
0x45: {  	_ =	shalt  }
0x46: {  	_ =	shalt  }
0x47: {  	_ =	shalt  }
0x48: {  	_ =	shalt  }
0x49: {  	_ =	shalt  }
0x4a: {  	_ =	shalt  }
0x4b: {  	_ =	shalt  }
0x4c: {  	_ =	shalt  }
0x4d: {  	_ =	shalt  }
0x4e: {  	_ =	shalt  }
0x4f: {  	_ =	shalt  }
0x50: {  	_ =	shalt  }
0x51: {  	_ =	shalt  }
0x52: {  	_ =	shalt  }
0x53: {  	_ =	shalt  }
0x54: {  	_ =	shalt  }
0x55: {  	_ =	shalt  }
0x56: {  	_ =	shalt  }
0x57: {  	_ =	shalt  }
0x58: {  	_ =	shalt  }
0x59: {  	_ =	shalt  }
0x5a: {  	_ =	shalt  }
0x5b: {  	_ =	shalt  }
0x5c: {  	_ =	shalt  }
0x5d: {  	_ =	shalt  }
0x5e: {  	_ =	shalt  }
0x5f: {  	_ =	shalt  }
0x60: {  	_ =	shalt  }
0x61: {  	_ =	shalt  }
0x62: {  	_ =	shalt  }
0x63: {  	_ =	shalt  }
0x64: {  	_ =	shalt  }
0x65: {  	_ =	shalt  }
0x66: {  	_ =	shalt  }
0x67: {  	_ =	shalt  }
0x68: {  	_ =	shalt  }
0x69: {  	_ =	shalt  }
0x6a: {  	_ =	shalt  }
0x6b: {  	_ =	shalt  }
0x6c: {  	_ =	shalt  }
0x6d: {  	_ =	shalt  }
0x6e: {  	_ =	shalt  }
0x6f: {  	_ =	shalt  }
0x70: {  	_ =	shalt  }
0x71: {  	_ =	shalt  }
0x72: {  	_ =	shalt  }
0x73: {  	_ =	shalt  }
0x74: {  	_ =	shalt  }
0x75: {  	_ =	shalt  }
0x76: {  	_ =	shalt  }
0x77: {  	_ =	shalt  }
0x78: {  	_ =	shalt  }
0x79: {  	_ =	shalt  }
0x7a: {  	_ =	shalt  }
0x7b: {  	_ =	shalt  }
0x7c: {  	_ =	shalt  }
0x7d: {  	_ =	shalt  }
0x7e: {  	_ =	shalt  }
0x7f: {  	_ =	shalt  }
0x80: {  	_ =	shalt  }
0x81: {  	_ =	shalt  }
0x82: {  	_ =	shalt  }
0x83: {  	_ =	shalt  }
0x84: {  	_ =	shalt  }
0x85: {  	_ =	shalt  }
0x86: {  	_ =	shalt  }
0x87: {  	_ =	shalt  }
.Lfunc_end0:
.L_simem_size_0:
called_computation_lowered:
.L_overlay_start_0:
0x88: {  	s2 =	sld [smem:$0x3FD9]  }
0x89: {  	s3 =	sld [smem:$0x3FFE];
	_ =	sdelay $0x1  }
0x8a: {  	s1 =	srdreg.scid  }
0x8b: {  	s0 =	sand.u32 $0x1, s1  }
0x8c: {  	s15 =	sshll.u32 s0, $0xA;
	s2 =	sadd.s32 s3, s2  }
0x8d: {  	s2 =	sadd.s32 s2, s15  }
0x8e: {  	[smem:$0x3FC6] =	sst s2  }
0x8f: {  	_ = 	snop  }
0x90: {  	s2 =	sld [smem:$0x3FD0];
	_ =	sdelay $0x2  }
0x91: {  	s16 =	simm.s32 $0xB;
	s4 =	simm.s32 $0x10  }
0x92: {  	[smem:s4], [sflag:s16] =	dma.local [hbm:s2], $0x1  }
0x93: {  	_ =	swait.eq [sflag:s16], $0x1  }
0x94: {  	[sflag:s16] =	ssyncset.done $0x0  }
0x95: {  	[sflag:s16] =	ssyncadd.s32 $0xFFFFFFFF  }
0x96: {  	s17 =	sld [smem:$0x11];
	(tm) =	ssettm $0x1  }
0x97: {  	s18 =	sld [smem:$0x3FFB];
	_ =	sdelay $0x3  }
0x98: {  	_ =	strace s18  }
0x99: {  	s2 =	sld [smem:$0x3FFC];
	_ =	sdelay $0x3  }
0x9a: {  	_ =	strace s2  }
0x9b: {  	s2 =	sld [smem:$0x3FFD];
	_ =	sdelay $0x3  }
0x9c: {  	_ =	strace s2  }
0x9d: {  	_ =	strace $0x8FFFFFFF  }
0x9e: {  	s19 =	sld [smem:$0x3FDB];
	_ =	sdelay $0x1  }
0x9f: {  	s20 =	simm.s32 $_scs_section_size  }
0xa0: {  	s5 =	simm.s32 $_size__tile_overlayer_lowered;
	s6 =	simm.s32 $_tile_overlayer_lowered  }
0xa1: {  	s7 =	simm.s32 $0x1BFF;
	s21 =	sshll.u32 s6, $0x1;
	s4 =	sadd.s32 s20, s19  }
0xa2: {  	s22 =	simm.s32 $0x0;
	s5 =	sshll.u32 s5, $0x1;
	s6 =	sadd.s32 s21, s4  }
0xa3: {  	[timem:s22], [sflag:s7] =	dma.local [hbm:s6], s5  }
0xa4: {  	_ =	swait.ge [sflag:s7], s5  }
0xa5: {  	s5 =	ssub.s32 $0x0, s5;
	[sflag:s7] =	ssyncset.done $0x0  }
0xa6: {  	[sflag:s7] =	ssyncadd.s32 s5;
	_ =	sdelay $0x1  }
0xa7: {  	s23 =	simm.s32 $0x1B8B  }
0xa8: {  	_ =	swait.ge [sflag:s23], $0x1  }
0xa9: {  	[sflag:s23] =	ssyncset.done $0x0  }
0xaa: {  	[sflag:s23] =	ssyncadd.s32 $0xFFFFFFFF  }
0xab: {  	s5 =	sld [smem:$0x0]  }
0xac: {  	s6 =	sand.u32 $0xFFFFFFFE, s1  }
0xad: {  	p0 =	sne.s32 s1, s6  }
0xae: {  	s6 =	sshll.u32 @p0 s6, $0xE  }
0xaf: {  	s6 =	sadd.s32 @p0 $0x11B8D, s6;
	s7 =	sshll.u32 @p0 s5, $0x11  }
0xb0: {  	s6 =	sor.u32 @p0 s7, s6  }
0xb1: {  	[sflag:s6] =	ssyncadd.remote.s32 @p0 $0x1;
	_ =	sdelay $0x1  }
0xb2: {  	s6 =	simm.s32 @p0 $0x1B8D  }
0xb3: {  	_ =	swait.eq @p0 [sflag:s6], $0x1  }
0xb4: {  	[sflag:s6] =	ssyncadd.s32 @p0 $0xFFFFFFFF  }
0xb5: {  	s7 =	sshll.u32 @!p0 s1, $0xE  }
0xb6: {  	s7 =	sor.u32 @!p0 $0x4000, s7;
	s6 =	simm.s32 @!p0 $0x1B8D  }
0xb7: {  	s5 =	sshll.u32 @!p0 s5, $0x11;
	s7 =	sadd.s32 @!p0 $0x11B8D, s7;
	_ =	swait.eq @!p0 [sflag:s6], $0x1  }
0xb8: {  	s5 =	sor.u32 @!p0 s5, s7;
	[sflag:s6] =	ssyncadd.s32 @!p0 $0xFFFFFFFF  }
0xb9: {  	s25 =	simm.s32 $0x1B8E;
	s24 =	sld [smem:$0x3FFE];
	[sflag:s5] =	ssyncadd.remote.s32 @!p0 $0x1  }
0xba: {  	s26 =	simm.s32 $execute0_lowered;
	[smem:$0x3FD2] =	sst s25  }
0xbb: {  	s6 =	sshll.u32 s26, $0x1;
	_ =	strace $0x80000049;
	[dreg:$0x1] =	wrdreg $0xFFFFFFFF  }
0xbc: {  	s28 =	simm.s32 $_size_execute0_lowered;
	s4 =	sadd.s32 s4, s6;
	[dreg:$0x0] =	wrdreg $0x0  }
0xbd: {  	s6 =	sshll.u32 s28, $0x1;
	[dreg:$0x2] =	wrdreg s4  }
0xbe: {  	[dreg:$0x3] =	wrdreg s6  }
0xbf: {  	[dreg:$0x4] =	wrdreg $0xC0  }
0xc0: {  	_ =	task [dreg:s22], $0x5FFFF  }
0xc1: {  	[dreg:$0x1] =	wrdreg $0xFFFFFFFF  }
0xc2: {  	[dreg:$0x0] =	wrdreg $0x60  }
0xc3: {  	[dreg:$0x2] =	wrdreg s24  }
0xc4: {  	[dreg:$0x3] =	wrdreg s17  }
0xc5: {  	[dreg:$0x4] =	wrdreg $0x9  }
0xc6: {  	_ =	task.clear_ibuf [dreg:s22], $0x5FFFF;
	_ =	strace $0x90000049  }
0xc7: {  	s29 =	simm.s32 $0x9;
	_ =	strace $0x8000004B  }
0xc8: {  	_ =	swait.ge [sflag:s29], $0x1  }
0xc9: {  	[sflag:s29] =	ssyncadd.s32 $0xFFFFFFFF  }
0xca: {  	_ =	strace $0x9000004B  }
0xcb: {  	_ =	sfence  }
0xcc: {  	s30 =	sld [smem:$0x0];
	_ =	sdelay $0x2  }
0xcd: {  	s31 =	sshll.u32 s1, $0xD;
	s1 =	sshrl.u32 s1, $0x2  }
0xce: {  	s4 =	sand.u32 $0x4000, s31;
	s1 =	sadd.s32 s1, s30  }
0xcf: {  	s0 =	sor.u32 s4, s0;
	s1 =	sshll.u32 s1, $0x11  }
0xd0: {  	s0 =	sor.u32 s1, s0  }
0xd1: {  	s0 =	sadd.s32 $0x8F2B, s0  }
0xd2: {  	[sflag:s0] =	ssyncadd.remote.s32 $0x1  }
0xd3: {  	_ =	sfence.sel $0xFFFF  }
0xd4: {  	[dreg:$0x0] =	wrdreg $0xFFFFFFFF;
	(pc) =	sbr.abs _section_cstart, $3  }
0xd5: {  	[dreg:$0x1] =	wrdreg $0xFFFFFFFF  }
0xd6: {  	_ =	task.clear_ibuf [dreg:s22], $0x2FFFF;
	_ =	strace $0x9FFFFFFF  }
0xd7: {  	(tm) =	ssettm $0x7FFFFFFF  }
tec
execute0_lowered:
.L_overlay_start_1:
0x0: {  	(tag) =	ssettag $0x1  }
0x1: {  	s1 =	srdreg.scid;
	s0 =	stileid.u32  }
0x2: {  	s14 =	sand.u32 $0x1, s1;
	s30 =	sshll.u32 s0, $0x1  }
0x3: {  	s15 =	sor.u32 s14, s30  }
0x4: {  	s9 =	rddreg [dreg:$0x0];
	s3 =	smul.u32 $0x120, s15  }
0x5: {  	s16 =	rddreg [dreg:$0x1]  }
0x6: {  	s2 =	simm.s32 $0x0;
	s1 =	rddreg [dreg:$0x2];
	s3 =	sshrl.u32 s3, $0x3  }
0x7: {  	[smem:$0x7FF] =	sst s2;
	s7 =	sadd.s32 s3, s9  }
0x8: {  	_ =	strace $0x8000004A;
	s3 =	simm.s32 $0x2;
	s4 =	sadd.s32 $0x14A00, s7  }
0x9: {  	[tilespmem:s2], [sflag:$0x2] =	stream.linear.gather [hbm4b:s4+s2], $0x60, $0x38;
	[tilespmem:$0x4920] =	vst v63  }
0xa: {  	_ =	swait.ge [sflag:s3], $0x60  }
0xb: {  	[sflag:s3] =	ssyncset.done $0x0  }
0xc: {  	s6 =	simm.s32 $0x60;
	s5 =	sadd.s32 $0x14A0C, s7;
	[sflag:s3] =	ssyncadd.s32 $0xFFFFFFA0  }
0xd: {  	[tilespmem:s6], [sflag:$0x2] =	stream.linear.gather [hbm4b:s5+s2], $0x60, $0x38;
	[tilespmem:$0x4920] =	vst v63  }
0xe: {  	_ =	swait.ge [sflag:s3], $0x60  }
0xf: {  	[sflag:s3] =	ssyncset.done $0x0  }
0x10: {  	s8 =	simm.s32 $0xC0;
	s7 =	sadd.s32 $0x14A18, s7;
	[sflag:s3] =	ssyncadd.s32 $0xFFFFFFA0  }
0x11: {  	[tilespmem:s8], [sflag:$0x2] =	stream.linear.gather [hbm4b:s7+s2], $0x60, $0x38;
	[tilespmem:$0x4920] =	vst v63  }
0x12: {  	_ =	swait.ge [sflag:s3], $0x60  }
0x13: {  	[sflag:s3] =	ssyncset.done $0x0  }
0x14: {  	s10 =	simm.s32 $0x120;
	s9 =	sadd.s32 $0x400, s9;
	[sflag:s3] =	ssyncadd.s32 $0xFFFFFFA0  }
0x15: {  	[tilespmem:s10], [sflag:$0x1] =	stream.indirect.gather [hbm4b:s9+s6], $0x40, s2, s6, $0xb8;
	[tilespmem:$0x4920] =	vst v63  }
0x16: {  	s11 =	simm.s32 $0x1920  }
0x17: {  	[tilespmem:s11], [sflag:$0x1] =	stream.indirect.gather [hbm4b:s9+s6], $0x40, s6, s6, $0xb8;
	[tilespmem:$0x4920] =	vst v63  }
0x18: {  	s12 =	simm.s32 $0x3120;
	s13 =	simm.s32 $0x1  }
0x19: {  	[tilespmem:s12], [sflag:$0x1] =	stream.indirect.gather [hbm4b:s9+s6], $0x40, s8, s6, $0xb8;
	[tilespmem:$0x4920] =	vst v63  }
0x1a: {  	_ =	swait.ge [sflag:s13], $0x1800  }
0x1b: {  	[sflag:s13] =	ssyncset.done $0x0  }
0x1c: {  	s14 =	ssub.s32 $0x2, s14;
	[sflag:s13] =	ssyncadd.s32 $0xFFFFE800  }
0x1d: {  	s17 =	sshrl.u32 s14, $0x1;
	_ =	swait.ge [sflag:s13], $0x1800  }
0x1e: {  	s17 =	ssub.s32 s14, s17;
	[sflag:s13] =	ssyncset.done $0x0  }
0x1f: {  	s31 =	smax.u32 s17, $0x1;
	[sflag:s13] =	ssyncadd.s32 $0xFFFFE800  }
0x20: {  	s15 =	smul.u32 $0x900, s15;
	p0 =	sne.s32 s31, $0x1;
	_ =	swait.ge [sflag:s13], $0x1800  }
.Ltmp0:
0x21: {  	[sflag:s13] =	ssyncset.done $0x0;
	(pc) =	sbr.rel @!p0 .LBB2_2-.Ltmp0, $4  }
0x22: {  	s14 =	sadd.s32 s16, s15;
	[sflag:s13] =	ssyncadd.s32 $0xFFFFE800  }
0x23: {  	[hbm4b:s14+s2] =	stream.linear.scatter [tilespmem:s10], [sflag:$0x2], $0x4800, $0x38;
	[tilespmem:$0x4920] =	vst v63  }
0x24: {  	_ =	swait.ge [sflag:s3], $0x4800  }
0x25: {  	s15 =	sadd.s32 $0xFFFFFFFF, s31;
	[sflag:s3] =	ssyncset.done $0x0  }
.LBB2_1:
0x26: {  	p0 =	sne.s32 s15, $0x1;
	s15 =	sadd.s32 $0xFFFFFFFF, s15;
	[sflag:s3] =	ssyncadd.s32 $0xFFFFB800  }
0x27: {  	[tilespmem:s2], [sflag:$0x2] =	stream.linear.gather [hbm4b:s4+s2], $0x60, $0x38;
	[tilespmem:$0x4920] =	vst v63  }
0x28: {  	_ =	swait.ge [sflag:s3], $0x60  }
0x29: {  	[sflag:s3] =	ssyncset.done $0x0  }
0x2a: {  	[sflag:s3] =	ssyncadd.s32 $0xFFFFFFA0  }
0x2b: {  	[tilespmem:s6], [sflag:$0x2] =	stream.linear.gather [hbm4b:s5+s2], $0x60, $0x38;
	[tilespmem:$0x4920] =	vst v63  }
0x2c: {  	_ =	swait.ge [sflag:s3], $0x60  }
0x2d: {  	[sflag:s3] =	ssyncset.done $0x0  }
0x2e: {  	[sflag:s3] =	ssyncadd.s32 $0xFFFFFFA0  }
0x2f: {  	[tilespmem:s8], [sflag:$0x2] =	stream.linear.gather [hbm4b:s7+s2], $0x60, $0x38;
	[tilespmem:$0x4920] =	vst v63  }
0x30: {  	_ =	swait.ge [sflag:s3], $0x60  }
0x31: {  	[sflag:s3] =	ssyncset.done $0x0  }
0x32: {  	[sflag:s3] =	ssyncadd.s32 $0xFFFFFFA0  }
0x33: {  	[tilespmem:s10], [sflag:$0x1] =	stream.indirect.gather [hbm4b:s9+s6], $0x40, s2, s6, $0xb8;
	[tilespmem:$0x4920] =	vst v63  }
0x34: {  	_ = 	snop  }
0x35: {  	[tilespmem:s11], [sflag:$0x1] =	stream.indirect.gather [hbm4b:s9+s6], $0x40, s6, s6, $0xb8;
	[tilespmem:$0x4920] =	vst v63  }
0x36: {  	_ = 	snop  }
0x37: {  	[tilespmem:s12], [sflag:$0x1] =	stream.indirect.gather [hbm4b:s9+s6], $0x40, s8, s6, $0xb8;
	[tilespmem:$0x4920] =	vst v63  }
0x38: {  	_ =	swait.ge [sflag:s13], $0x1800  }
0x39: {  	[sflag:s13] =	ssyncset.done $0x0  }
0x3a: {  	[sflag:s13] =	ssyncadd.s32 $0xFFFFE800  }
0x3b: {  	_ =	swait.ge [sflag:s13], $0x1800  }
0x3c: {  	[sflag:s13] =	ssyncset.done $0x0  }
0x3d: {  	[sflag:s13] =	ssyncadd.s32 $0xFFFFE800  }
0x3e: {  	_ =	swait.ge [sflag:s13], $0x1800  }
.Ltmp1:
0x3f: {  	[sflag:s13] =	ssyncset.done $0x0;
	(pc) =	sbr.rel @p0 .LBB2_1-.Ltmp1, $4  }
0x40: {  	[sflag:s13] =	ssyncadd.s32 $0xFFFFE800  }
0x41: {  	[hbm4b:s14+s2] =	stream.linear.scatter [tilespmem:s10], [sflag:$0x2], $0x4800, $0x38;
	[tilespmem:$0x4920] =	vst v63  }
0x42: {  	_ =	swait.ge [sflag:s3], $0x4800  }
0x43: {  	[sflag:s3] =	ssyncset.done $0x0  }
.LBB2_2:
0x44: {  	[sflag:s3] =	ssyncadd.s32 $0xFFFFB800  }
0x45: {  	_ =	sfence.sel $0x180000  }
0x46: {  	[bflag:$0x0] =	sbarrier.arrive $0xFFFF  }
0x47: {  	p0 =	sne.s32 s0, $0x0;
	_ =	strace $0x9000004A  }
0x48: {  	s0 =	sadd.s32 @!p0 $0x100000, s1;
	[bflag:$0x2] =	sbarrier.arrive $0xFFFF  }
0x49: {  	[sflag:s0] =	ssyncadd.tile.s32 @!p0 $0x1;
	_ =	shalt  }
.Lfunc_end2:
_tile_overlayer_lowered:
.L_overlay_start_2:
0x4a: {  	(tag) =	ssettag $0x2  }
0x4b: {  	s0 =	rddreg [dreg:$0x0];
	s2 =	stileid.u32  }
0x4c: {  	s1 =	rddreg [dreg:$0x1];
	p0 =	sne.s32 s2, $0x0  }
0x4d: {  	s3 =	rddreg [dreg:$0x2];
	[bflag:$0x3] =	sbarrier.arrive $0xFFFF;
	s2 =	simm.s32 @!p0 $0x1C02  }
0x4e: {  	[timem:s3], [sflag:s2] =	dma.local @!p0 [hbm:s0], s1  }
0x4f: {  	s0 =	simm.s32 @!p0 $0x2  }
0x50: {  	_ =	swait.ge @!p0 [sflag:s0], s1  }
0x51: {  	s1 =	ssub.s32 @!p0 $0x0, s1;
	[sflag:s0] =	ssyncset.done @!p0 $0x0  }
0x52: {  	[sflag:s0] =	ssyncadd.s32 @!p0 s1  }
0x53: {  	[bflag:$0x3] =	sbarrier.arrive $0xFFFF  }
0x54: {  	_ =	shalt  }

// kernel: kernel.9.cloned.1.call-start
scs
__scs_entry_jumppad:
0x0: {  	(pc) =	sbr.rel $0x88, $3  }
0x1: {  	(tag) =	ssettag $0x0;
	lr =	simm.s32 $0x1  }
0x2: {  	[smem:$0x3F9F] =	sst lr;
	_ =	strace $0xD0000000  }
0x3: {  	_ = 	snop  }
0x4: {  	_ = 	snop  }
0x5: {  	_ = 	snop  }
0x6: {  	_ = 	snop  }
0x7: {  	_ = 	snop  }
__scs_overlays_trampoline_lowered:
0x8: {  	[smem:$0x3FAE] =	sst s0  }
0x9: {  	[smem:$0x3FAF] =	sst s1  }
0xa: {  	[smem:$0x3FB0] =	sst s2  }
0xb: {  	[smem:$0x3FB1] =	sst s3  }
0xc: {  	[smem:$0x3FB2] =	sst s4  }
0xd: {  	[smem:$0x3FB3] =	sst s5  }
0xe: {  	[smem:$0x3FB4] =	sst s6  }
0xf: {  	[smem:$0x3FB5] =	sst s7  }
0x10: {  	[smem:$0x3FB6] =	sst s8  }
0x11: {  	[smem:$0x3FB7] =	sst s9;
	s0 =	simm.s32 @!p0 $0x0  }
0x12: {  	s1 =	sld [smem:$0x3F9D];
	s0 =	simm.s32 @p0 $0x1  }
0x13: {  	[smem:$0x3FB8] =	sst s0;
	s0 =	simm.s32 @!p1 $0x0  }
0x14: {  	s2 =	sld [smem:$0x3F9C];
	s0 =	simm.s32 @p1 $0x1  }
0x15: {  	[smem:$0x3FB9] =	sst s0;
	s0 =	simm.s32 @!p2 $0x0  }
0x16: {  	s3 =	sld [smem:$0x3FDB];
	s0 =	simm.s32 @p2 $0x1  }
0x17: {  	s4 =	simm.s32 $0x1BF5;
	[smem:$0x3FBB] =	sst s0  }
0x18: {  	s0 =	sld [smem:$0x3F9E];
	_ =	swait.ge [sflag:s4], $0x0  }
0x19: {  	s7 =	sld [smem:$0x3F9F]  }
0x1a: {  	s8 =	sadd.s32 $0xFFFFE003, lr  }
0x1b: {  	s9 =	sadd.s32 $0xFFFFFEF7, lr;
	s5 =	simm.s32 $0xFFFFFFFF;
	p2 =	slt.u32 s8, $0xFFFFF086  }
0x1c: {  	p1 =	slt.u32 s9, $0xF7A;
	s5 =	simm.s32 @!p2 $0x0  }
0x1d: {  	s5 =	simm.s32 @p1 $0x1;
	p0 =	seq.s32 s7, s2  }
0x1e: {  	s7 =	smul.u32 @!p0 $0xF7A, s2;
	p2 =	seq.s32 @!p0 s5, $0x0  }
0x1f: {  	s9 =	smul.u32 $0xF7A, s1;
	s8 =	simm.s32 @!p0 $0x1BF5;
	p2 =	por !p2, p0  }
0x20: {  	[sflag:s8] =	ssyncset.s32 @!p0 $0xFFFFF086;
	s6 =	sadd.s32 @!p0 s3, s7;
	s7 =	simm.s32 @!p0 $0x108  }
0x21: {  	s3 =	sadd.s32 s3, s9;
	s6 =	sadd.s32 @!p0 $0x88, s6;
	s7 =	simm.s32 @p2 $0x1082  }
0x22: {  	[simem:s7], [sflag:s8] =	dma.local @!p0 [hbm:s6], $0xF7A  }
0x23: {  	s9 =	sor.u32 $0xD0000000, s2;
	s6 =	simm.s32 $0x108;
	_ =	swait.ge @!p0 [sflag:s8], $0x0  }
0x24: {  	s3 =	sadd.s32 $0x88, s3;
	s6 =	simm.s32 @!p1 $0x1082;
	[sflag:s4] =	ssyncset.s32 $0xFFFFF086  }
0x25: {  	[simem:s6], [sflag:s4] =	dma.local [hbm:s3], $0xF7A  }
0x26: {  	[smem:$0x3F9F] =	sst s1;
	(tag) =	ssettag s2;
	_ =	strace s9  }
0x27: {  	s1 =	sld [smem:$0x3FAF]  }
0x28: {  	s2 =	sld [smem:$0x3FB0]  }
0x29: {  	s4 =	sld [smem:$0x3FB2]  }
0x2a: {  	p0 =	seq.s32 s5, $0x0;
	s5 =	sld [smem:$0x3FB3]  }
0x2b: {  	s6 =	sld [smem:$0x3FB4]  }
0x2c: {  	s7 =	sld [smem:$0x3FB5]  }
0x2d: {  	s3 =	simm.s32 $0x108;
	s8 =	sld [smem:$0x3FB6]  }
0x2e: {  	s3 =	simm.s32 @!p0 $0x1082;
	s9 =	sld [smem:$0x3FB7]  }
0x2f: {  	lr =	sadd.s32 s0, s3;
	s0 =	sld [smem:$0x3FAE]  }
0x30: {  	s3 =	sld [smem:$0x3FB1]  }
0x31: {  	[smem:$0x3FBA] =	sst s10  }
0x32: {  	s10 =	sld [smem:$0x3FB8];
	_ =	sdelay $0x3  }
0x33: {  	p0 =	seq.s32 s10, $0x1;
	s10 =	sld [smem:$0x3FBA];
	_ =	sdelay $0x3  }
0x34: {  	[smem:$0x3FBA] =	sst s10  }
0x35: {  	s10 =	sld [smem:$0x3FB9];
	_ =	sdelay $0x3  }
0x36: {  	p1 =	seq.s32 s10, $0x1;
	s10 =	sld [smem:$0x3FBA];
	_ =	sdelay $0x3  }
0x37: {  	[smem:$0x3FBA] =	sst s10  }
0x38: {  	s10 =	sld [smem:$0x3FBB]  }
0x39: {  	_ = 	snop;
	(pc) =	sbr.ind lr, $3  }
0x3a: {  	_ = 	snop  }
0x3b: {  	_ = 	snop  }
0x3c: {  	p2 =	seq.s32 s10, $0x1;
	s10 =	sld [smem:$0x3FBA]  }
0x3d: {  	_ =	shalt  }
0x3e: {  	_ =	shalt  }
0x3f: {  	_ =	shalt  }
0x40: {  	_ =	shalt  }
0x41: {  	_ =	shalt  }
0x42: {  	_ =	shalt  }
0x43: {  	_ =	shalt  }
0x44: {  	_ =	shalt  }
0x45: {  	_ =	shalt  }
0x46: {  	_ =	shalt  }
0x47: {  	_ =	shalt  }
0x48: {  	_ =	shalt  }
0x49: {  	_ =	shalt  }
0x4a: {  	_ =	shalt  }
0x4b: {  	_ =	shalt  }
0x4c: {  	_ =	shalt  }
0x4d: {  	_ =	shalt  }
0x4e: {  	_ =	shalt  }
0x4f: {  	_ =	shalt  }
0x50: {  	_ =	shalt  }
0x51: {  	_ =	shalt  }
0x52: {  	_ =	shalt  }
0x53: {  	_ =	shalt  }
0x54: {  	_ =	shalt  }
0x55: {  	_ =	shalt  }
0x56: {  	_ =	shalt  }
0x57: {  	_ =	shalt  }
0x58: {  	_ =	shalt  }
0x59: {  	_ =	shalt  }
0x5a: {  	_ =	shalt  }
0x5b: {  	_ =	shalt  }
0x5c: {  	_ =	shalt  }
0x5d: {  	_ =	shalt  }
0x5e: {  	_ =	shalt  }
0x5f: {  	_ =	shalt  }
0x60: {  	_ =	shalt  }
0x61: {  	_ =	shalt  }
0x62: {  	_ =	shalt  }
0x63: {  	_ =	shalt  }
0x64: {  	_ =	shalt  }
0x65: {  	_ =	shalt  }
0x66: {  	_ =	shalt  }
0x67: {  	_ =	shalt  }
0x68: {  	_ =	shalt  }
0x69: {  	_ =	shalt  }
0x6a: {  	_ =	shalt  }
0x6b: {  	_ =	shalt  }
0x6c: {  	_ =	shalt  }
0x6d: {  	_ =	shalt  }
0x6e: {  	_ =	shalt  }
0x6f: {  	_ =	shalt  }
0x70: {  	_ =	shalt  }
0x71: {  	_ =	shalt  }
0x72: {  	_ =	shalt  }
0x73: {  	_ =	shalt  }
0x74: {  	_ =	shalt  }
0x75: {  	_ =	shalt  }
0x76: {  	_ =	shalt  }
0x77: {  	_ =	shalt  }
0x78: {  	_ =	shalt  }
0x79: {  	_ =	shalt  }
0x7a: {  	_ =	shalt  }
0x7b: {  	_ =	shalt  }
0x7c: {  	_ =	shalt  }
0x7d: {  	_ =	shalt  }
0x7e: {  	_ =	shalt  }
0x7f: {  	_ =	shalt  }
0x80: {  	_ =	shalt  }
0x81: {  	_ =	shalt  }
0x82: {  	_ =	shalt  }
0x83: {  	_ =	shalt  }
0x84: {  	_ =	shalt  }
0x85: {  	_ =	shalt  }
0x86: {  	_ =	shalt  }
0x87: {  	_ =	shalt  }
.Lfunc_end0:
.L_simem_size_0:
called_computation.1_lowered:
.L_overlay_start_0:
0x88: {  	s2 =	sld [smem:$0x3FD9]  }
0x89: {  	s3 =	sld [smem:$0x3FFE];
	_ =	sdelay $0x1  }
0x8a: {  	s1 =	srdreg.scid  }
0x8b: {  	s0 =	sand.u32 $0x1, s1  }
0x8c: {  	s16 =	sshll.u32 s0, $0xA;
	s2 =	sadd.s32 s3, s2  }
0x8d: {  	s2 =	sadd.s32 s2, s16  }
0x8e: {  	[smem:$0x3FC6] =	sst s2  }
0x8f: {  	_ = 	snop  }
0x90: {  	(tm) =	ssettm $0x1  }
0x91: {  	s17 =	sld [smem:$0x3FFB];
	_ =	sdelay $0x3  }
0x92: {  	_ =	strace s17  }
0x93: {  	s2 =	sld [smem:$0x3FFC];
	_ =	sdelay $0x3  }
0x94: {  	_ =	strace s2  }
0x95: {  	s2 =	sld [smem:$0x3FFD];
	_ =	sdelay $0x3  }
0x96: {  	_ =	strace s2  }
0x97: {  	_ =	strace $0x8FFFFFFF  }
0x98: {  	s18 =	sld [smem:$0x3FDB];
	_ =	sdelay $0x1  }
0x99: {  	s19 =	simm.s32 $_scs_section_size  }
0x9a: {  	s4 =	simm.s32 $_size__tile_overlayer_lowered;
	s5 =	simm.s32 $_tile_overlayer_lowered  }
0x9b: {  	s22 =	simm.s32 $0x1BFF;
	s21 =	sshll.u32 s5, $0x1;
	s2 =	sadd.s32 s19, s18  }
0x9c: {  	s6 =	simm.s32 $0x0;
	s20 =	sshll.u32 s4, $0x1;
	s4 =	sadd.s32 s21, s2  }
0x9d: {  	[timem:s6], [sflag:s22] =	dma.local [hbm:s4], s20  }
0x9e: {  	_ =	swait.ge [sflag:s22], s20  }
0x9f: {  	s3 =	ssub.s32 $0x0, s20;
	[sflag:s22] =	ssyncset.done $0x0  }
0xa0: {  	[sflag:s22] =	ssyncadd.s32 s3;
	_ =	sdelay $0x1  }
0xa1: {  	s23 =	simm.s32 $0x1B8B  }
0xa2: {  	_ =	swait.ge [sflag:s23], $0x1  }
0xa3: {  	[sflag:s23] =	ssyncset.done $0x0  }
0xa4: {  	s25 =	simm.s32 $0x1B8E;
	s24 =	sld [smem:$0x3FFE];
	[sflag:s23] =	ssyncadd.s32 $0xFFFFFFFF  }
0xa5: {  	s26 =	simm.s32 $execute0_lowered;
	[smem:$0x3FD2] =	sst s25  }
0xa6: {  	s4 =	sshll.u32 s26, $0x1;
	_ =	strace $0x80000046;
	[dreg:$0x1] =	wrdreg $0xFFFFFFFF  }
0xa7: {  	s28 =	simm.s32 $_size_execute0_lowered;
	s2 =	sadd.s32 s2, s4;
	[dreg:$0x0] =	wrdreg $0x0  }
0xa8: {  	s4 =	sshll.u32 s28, $0x1;
	[dreg:$0x2] =	wrdreg s2  }
0xa9: {  	[dreg:$0x3] =	wrdreg s4  }
0xaa: {  	[dreg:$0x4] =	wrdreg $0xC0  }
0xab: {  	_ =	task [dreg:s6], $0x5FFFF  }
0xac: {  	[dreg:$0x1] =	wrdreg $0xFFFFFFFF  }
0xad: {  	[dreg:$0x0] =	wrdreg $0x60  }
0xae: {  	[dreg:$0x2] =	wrdreg s24  }
0xaf: {  	[dreg:$0x3] =	wrdreg $0xA  }
0xb0: {  	_ =	task.clear_ibuf [dreg:s6], $0x4FFFF;
	_ =	strace $0x90000046  }
0xb1: {  	s29 =	simm.s32 $0xA;
	_ =	strace $0x80000048  }
0xb2: {  	_ =	swait.ge [sflag:s29], $0x1  }
0xb3: {  	[sflag:s29] =	ssyncadd.s32 $0xFFFFFFFF  }
0xb4: {  	_ =	strace $0x90000048  }
0xb5: {  	_ =	sfence  }
0xb6: {  	s30 =	sld [smem:$0x0];
	_ =	sdelay $0x2  }
0xb7: {  	s31 =	sshll.u32 s1, $0xD;
	s1 =	sshrl.u32 s1, $0x2  }
0xb8: {  	s3 =	sand.u32 $0x4000, s31;
	s1 =	sadd.s32 s1, s30  }
0xb9: {  	s0 =	sor.u32 s3, s0;
	s1 =	sshll.u32 s1, $0x11  }
0xba: {  	s0 =	sor.u32 s1, s0  }
0xbb: {  	s0 =	sadd.s32 $0x8F2B, s0  }
0xbc: {  	[sflag:s0] =	ssyncadd.remote.s32 $0x1  }
0xbd: {  	_ =	sfence.sel $0xFFFF  }
0xbe: {  	[dreg:$0x0] =	wrdreg $0xFFFFFFFF;
	(pc) =	sbr.abs _section_cstart, $3  }
0xbf: {  	[dreg:$0x1] =	wrdreg $0xFFFFFFFF  }
0xc0: {  	_ =	task.clear_ibuf [dreg:s6], $0x2FFFF;
	_ =	strace $0x9FFFFFFF  }
0xc1: {  	(tm) =	ssettm $0x7FFFFFFF  }
tec
execute0_lowered:
.L_overlay_start_1:
0x0: {  	(tag) =	ssettag $0x1  }
0x1: {  	s1 =	srdreg.scid;
	s0 =	stileid.u32  }
0x2: {  	s14 =	sand.u32 $0x1, s1;
	s29 =	sshll.u32 s0, $0x1  }
0x3: {  	s15 =	sor.u32 s14, s29  }
0x4: {  	s3 =	smul.u32 $0x120, s15  }
0x5: {  	s16 =	rddreg [dreg:$0x0]  }
0x6: {  	s2 =	simm.s32 $0x0;
	s1 =	rddreg [dreg:$0x1];
	s3 =	sshrl.u32 s3, $0x3  }
0x7: {  	[smem:$0x7FF] =	sst s2;
	s7 =	sadd.s32 s3, s16  }
0x8: {  	_ =	strace $0x80000047;
	s3 =	simm.s32 $0x2;
	s4 =	sadd.s32 $0x2400, s7  }
0x9: {  	[tilespmem:s2], [sflag:$0x2] =	stream.linear.gather [hbm4b:s4+s2], $0x60, $0x38;
	[tilespmem:$0x4920] =	vst v63  }
0xa: {  	_ =	swait.ge [sflag:s3], $0x60  }
0xb: {  	[sflag:s3] =	ssyncset.done $0x0  }
0xc: {  	s6 =	simm.s32 $0x60;
	s5 =	sadd.s32 $0x240C, s7;
	[sflag:s3] =	ssyncadd.s32 $0xFFFFFFA0  }
0xd: {  	[tilespmem:s6], [sflag:$0x2] =	stream.linear.gather [hbm4b:s5+s2], $0x60, $0x38;
	[tilespmem:$0x4920] =	vst v63  }
0xe: {  	_ =	swait.ge [sflag:s3], $0x60  }
0xf: {  	[sflag:s3] =	ssyncset.done $0x0  }
0x10: {  	s8 =	simm.s32 $0xC0;
	s7 =	sadd.s32 $0x2418, s7;
	[sflag:s3] =	ssyncadd.s32 $0xFFFFFFA0  }
0x11: {  	[tilespmem:s8], [sflag:$0x2] =	stream.linear.gather [hbm4b:s7+s2], $0x60, $0x38;
	[tilespmem:$0x4920] =	vst v63  }
0x12: {  	_ =	swait.ge [sflag:s3], $0x60  }
0x13: {  	[sflag:s3] =	ssyncset.done $0x0  }
0x14: {  	s10 =	simm.s32 $0x120;
	s9 =	sadd.s32 $0x400, s16;
	[sflag:s3] =	ssyncadd.s32 $0xFFFFFFA0  }
0x15: {  	[tilespmem:s10], [sflag:$0x1] =	stream.indirect.gather [hbm4b:s9+s6], $0x40, s2, s6, $0xb8;
	[tilespmem:$0x4920] =	vst v63  }
0x16: {  	s11 =	simm.s32 $0x1920  }
0x17: {  	[tilespmem:s11], [sflag:$0x1] =	stream.indirect.gather [hbm4b:s9+s6], $0x40, s6, s6, $0xb8;
	[tilespmem:$0x4920] =	vst v63  }
0x18: {  	s12 =	simm.s32 $0x3120;
	s13 =	simm.s32 $0x1  }
0x19: {  	[tilespmem:s12], [sflag:$0x1] =	stream.indirect.gather [hbm4b:s9+s6], $0x40, s8, s6, $0xb8;
	[tilespmem:$0x4920] =	vst v63  }
0x1a: {  	_ =	swait.ge [sflag:s13], $0x1800  }
0x1b: {  	[sflag:s13] =	ssyncset.done $0x0  }
0x1c: {  	s14 =	ssub.s32 $0x2, s14;
	[sflag:s13] =	ssyncadd.s32 $0xFFFFE800  }
0x1d: {  	s17 =	sshrl.u32 s14, $0x1;
	_ =	swait.ge [sflag:s13], $0x1800  }
0x1e: {  	s30 =	ssub.s32 s14, s17;
	[sflag:s13] =	ssyncset.done $0x0  }
0x1f: {  	s15 =	smul.u32 $0x900, s15;
	s31 =	smax.u32 s30, $0x1;
	[sflag:s13] =	ssyncadd.s32 $0xFFFFE800  }
0x20: {  	p0 =	sne.s32 s31, $0x1;
	_ =	swait.ge [sflag:s13], $0x1800  }
.Ltmp0:
0x21: {  	s15 =	sadd.s32 s15, s16;
	[sflag:s13] =	ssyncset.done $0x0;
	(pc) =	sbr.rel @!p0 .LBB2_2-.Ltmp0, $4  }
0x22: {  	s14 =	sadd.s32 $0x2A00, s15;
	[sflag:s13] =	ssyncadd.s32 $0xFFFFE800  }
0x23: {  	[hbm4b:s14+s2] =	stream.linear.scatter [tilespmem:s10], [sflag:$0x2], $0x4800, $0x38;
	[tilespmem:$0x4920] =	vst v63  }
0x24: {  	_ =	swait.ge [sflag:s3], $0x4800  }
0x25: {  	s15 =	sadd.s32 $0xFFFFFFFF, s31;
	[sflag:s3] =	ssyncset.done $0x0  }
.LBB2_1:
0x26: {  	p0 =	sne.s32 s15, $0x1;
	s15 =	sadd.s32 $0xFFFFFFFF, s15;
	[sflag:s3] =	ssyncadd.s32 $0xFFFFB800  }
0x27: {  	[tilespmem:s2], [sflag:$0x2] =	stream.linear.gather [hbm4b:s4+s2], $0x60, $0x38;
	[tilespmem:$0x4920] =	vst v63  }
0x28: {  	_ =	swait.ge [sflag:s3], $0x60  }
0x29: {  	[sflag:s3] =	ssyncset.done $0x0  }
0x2a: {  	[sflag:s3] =	ssyncadd.s32 $0xFFFFFFA0  }
0x2b: {  	[tilespmem:s6], [sflag:$0x2] =	stream.linear.gather [hbm4b:s5+s2], $0x60, $0x38;
	[tilespmem:$0x4920] =	vst v63  }
0x2c: {  	_ =	swait.ge [sflag:s3], $0x60  }
0x2d: {  	[sflag:s3] =	ssyncset.done $0x0  }
0x2e: {  	[sflag:s3] =	ssyncadd.s32 $0xFFFFFFA0  }
0x2f: {  	[tilespmem:s8], [sflag:$0x2] =	stream.linear.gather [hbm4b:s7+s2], $0x60, $0x38;
	[tilespmem:$0x4920] =	vst v63  }
0x30: {  	_ =	swait.ge [sflag:s3], $0x60  }
0x31: {  	[sflag:s3] =	ssyncset.done $0x0  }
0x32: {  	[sflag:s3] =	ssyncadd.s32 $0xFFFFFFA0  }
0x33: {  	[tilespmem:s10], [sflag:$0x1] =	stream.indirect.gather [hbm4b:s9+s6], $0x40, s2, s6, $0xb8;
	[tilespmem:$0x4920] =	vst v63  }
0x34: {  	_ = 	snop  }
0x35: {  	[tilespmem:s11], [sflag:$0x1] =	stream.indirect.gather [hbm4b:s9+s6], $0x40, s6, s6, $0xb8;
	[tilespmem:$0x4920] =	vst v63  }
0x36: {  	_ = 	snop  }
0x37: {  	[tilespmem:s12], [sflag:$0x1] =	stream.indirect.gather [hbm4b:s9+s6], $0x40, s8, s6, $0xb8;
	[tilespmem:$0x4920] =	vst v63  }
0x38: {  	_ =	swait.ge [sflag:s13], $0x1800  }
0x39: {  	[sflag:s13] =	ssyncset.done $0x0  }
0x3a: {  	[sflag:s13] =	ssyncadd.s32 $0xFFFFE800  }
0x3b: {  	_ =	swait.ge [sflag:s13], $0x1800  }
0x3c: {  	[sflag:s13] =	ssyncset.done $0x0  }
0x3d: {  	[sflag:s13] =	ssyncadd.s32 $0xFFFFE800  }
0x3e: {  	_ =	swait.ge [sflag:s13], $0x1800  }
.Ltmp1:
0x3f: {  	[sflag:s13] =	ssyncset.done $0x0;
	(pc) =	sbr.rel @p0 .LBB2_1-.Ltmp1, $4  }
0x40: {  	[sflag:s13] =	ssyncadd.s32 $0xFFFFE800  }
0x41: {  	[hbm4b:s14+s2] =	stream.linear.scatter [tilespmem:s10], [sflag:$0x2], $0x4800, $0x38;
	[tilespmem:$0x4920] =	vst v63  }
0x42: {  	_ =	swait.ge [sflag:s3], $0x4800  }
0x43: {  	[sflag:s3] =	ssyncset.done $0x0  }
.LBB2_2:
0x44: {  	[sflag:s3] =	ssyncadd.s32 $0xFFFFB800  }
0x45: {  	_ =	sfence.sel $0x180000  }
0x46: {  	[bflag:$0x0] =	sbarrier.arrive $0xFFFF  }
0x47: {  	p0 =	sne.s32 s0, $0x0;
	_ =	strace $0x90000047  }
0x48: {  	s0 =	sadd.s32 @!p0 $0x100000, s1;
	[bflag:$0x2] =	sbarrier.arrive $0xFFFF  }
0x49: {  	[sflag:s0] =	ssyncadd.tile.s32 @!p0 $0x1;
	_ =	shalt  }
.Lfunc_end2:
_tile_overlayer_lowered:
.L_overlay_start_2:
0x4a: {  	(tag) =	ssettag $0x2  }
0x4b: {  	s0 =	rddreg [dreg:$0x0];
	s2 =	stileid.u32  }
0x4c: {  	s1 =	rddreg [dreg:$0x1];
	p0 =	sne.s32 s2, $0x0  }
0x4d: {  	s3 =	rddreg [dreg:$0x2];
	[bflag:$0x3] =	sbarrier.arrive $0xFFFF;
	s2 =	simm.s32 @!p0 $0x1C02  }
0x4e: {  	[timem:s3], [sflag:s2] =	dma.local @!p0 [hbm:s0], s1  }
0x4f: {  	s0 =	simm.s32 @!p0 $0x2  }
0x50: {  	_ =	swait.ge @!p0 [sflag:s0], s1  }
0x51: {  	s1 =	ssub.s32 @!p0 $0x0, s1;
	[sflag:s0] =	ssyncset.done @!p0 $0x0  }
0x52: {  	[sflag:s0] =	ssyncadd.s32 @!p0 s1  }
0x53: {  	[bflag:$0x3] =	sbarrier.arrive $0xFFFF  }
0x54: {  	_ =	shalt  }

</sc_bundles>
